<compile_context>
chip_gen: v7x
topology: tpu7x:2x2x1
jax: 0.10.2.dev20260603
libtpu: 0.0.44.dev20260713+nightly
codegen_flags: <defaults>
</compile_context>

<pallas_src>
import functools

import jax
import jax.numpy as jnp
from jax.experimental import pallas as pl
from jax.experimental.pallas import tpu as pltpu
from jax.experimental.pallas import tpu_sc as plsc

_LT = 4096
_VT = 2048
_DP = 128


def _conv_pairs(x, pad=3):
    B, L, C = x.shape
    xp = jnp.pad(x, ((0, 0), (pad, pad), (0, 0)))
    return xp.reshape(B, (L + 2 * pad) // 2, 2 * C)


def _conv_mm_pairs(P, w8, b, relu, Lo):
    B, Lp, C2 = P.shape
    O = w8.shape[1]

    def body(p_ref, w_ref, b_ref, o_ref):
        x = p_ref[0]
        X = jnp.concatenate([x[j:j + Lo] for j in range(4)], axis=1)
        y = jax.lax.dot_general(
            X, w_ref[...], (((1,), (0,)), ((), ())),
            preferred_element_type=jnp.float32)
        y = y + b_ref[...]
        if relu:
            y = jnp.maximum(y, 0.0)
        o_ref[0] = y

    return pl.pallas_call(
        body,
        grid=(B,),
        in_specs=[
            pl.BlockSpec((1, Lp, C2), lambda bb: (bb, 0, 0)),
            pl.BlockSpec((4 * C2, O), lambda bb: (0, 0)),
            pl.BlockSpec((1, O), lambda bb: (0, 0)),
        ],
        out_specs=pl.BlockSpec((1, Lo, O), lambda bb: (bb, 0, 0)),
        out_shape=jax.ShapeDtypeStruct((B, Lo, O), jnp.float32),
    )(P, w8, b.reshape(1, O))


def _w8(w):
    O, C, _ = w.shape
    w7 = jnp.transpose(w, (2, 1, 0)).reshape(7 * C, O)
    return jnp.concatenate([w7, jnp.zeros((C, O), w7.dtype)], axis=0)


def _conv_stack(audio, w1, b1, w2, b2, w3, b3):
    B = audio.shape[0]
    L = audio.shape[2]
    x = jnp.reshape(audio, (B, L, 1))
    h1 = _conv_mm_pairs(_conv_pairs(x), _w8(w1), b1, True, L // 2)
    h2 = _conv_mm_pairs(_conv_pairs(h1), _w8(w2), b2, True, L // 4)
    f = _conv_mm_pairs(_conv_pairs(h2), _w8(w3), b3, False, L // 8)
    return f.reshape(B * (L // 8), -1)


def _vq_tokens_one(f, cbT):
    BL, D = f.shape
    V = cbT.shape[1]
    nl = BL // _LT
    nv = V // _VT

    def body(f_ref, cb_ref, tok_ref, minv, argm):
        j = pl.program_id(1)

        @pl.when(j == 0)
        def _init():
            minv[...] = jnp.full(minv.shape, jnp.inf, jnp.float32)
            argm[...] = jnp.zeros(argm.shape, jnp.int32)

        fv = f_ref[...]
        cb = cb_ref[...]
        f2 = jnp.sum(fv * fv, axis=1, keepdims=True)
        c2 = jnp.sum(cb * cb, axis=0, keepdims=True)
        e2 = jax.lax.dot_general(
            fv, cb * -2.0, (((1,), (0,)), ((), ())),
            preferred_element_type=jnp.float32)
        CW = 128
        m = None
        a = None
        for c in range(_VT // CW):
            sl = slice(c * CW, (c + 1) * CW)
            s = (f2 + c2[:, sl]) + e2[:, sl]
            if c == 0:
                m = s
                a = jnp.zeros(s.shape, jnp.float32)
            else:
                upd = s < m
                a = jnp.where(upd, jnp.float32(c), a)
                m = jnp.minimum(m, s)
        tmin = jnp.min(m, axis=1, keepdims=True)
        lane = jax.lax.broadcasted_iota(
            jnp.int32, m.shape, 1).astype(jnp.float32)
        gidx = a * jnp.float32(CW) + lane
        targ_f = jnp.min(jnp.where(m == tmin, gidx, jnp.float32(_VT)),
                         axis=1, keepdims=True)
        targ = targ_f.astype(jnp.int32) + j * _VT
        better = tmin < minv[...]
        argm[...] = jnp.where(better, targ, argm[...])
        minv[...] = jnp.where(better, tmin, minv[...])

        @pl.when(j == nv - 1)
        def _fin():
            tok_ref[...] = argm[...]

    return pl.pallas_call(
        body,
        grid=(nl, nv),
        in_specs=[
            pl.BlockSpec((_LT, D), lambda l, j: (l, 0)),
            pl.BlockSpec((D, _VT), lambda l, j: (0, j)),
        ],
        out_specs=pl.BlockSpec((_LT, 1), lambda l, j: (l, 0)),
        out_shape=jax.ShapeDtypeStruct((BL, 1), jnp.int32),
        scratch_shapes=[
            pltpu.VMEM((_LT, 1), jnp.float32),
            pltpu.VMEM((_LT, 1), jnp.int32),
        ],
    )(f, cbT)


def _sc_gather_one(tokens, emb_pad):
    BL = tokens.shape[0]
    V = emb_pad.shape[0]
    NC, NS = 2, 16
    NW = NC * NS
    CHUNK = BL // NW
    VS = V // NS
    mesh = plsc.VectorSubcoreMesh(core_axis_name="c", subcore_axis_name="s")

    @functools.partial(
        pl.kernel, mesh=mesh,
        out_type=jax.ShapeDtypeStruct((BL, _DP), jnp.float32),
        scratch_types=[
            pltpu.VMEM((CHUNK,), jnp.int32),
            pltpu.VMEM((CHUNK, _DP), jnp.float32),
            pltpu.VMEM_SHARED((V, _DP), jnp.float32),
            pltpu.SemaphoreType.DMA,
        ],
    )
    def gather_kernel(tok_hbm, emb_hbm, out_hbm, idx_v, rows_v, shared, sem):
        sid = jax.lax.axis_index("s")
        wid = sid * NC + jax.lax.axis_index("c")
        base = wid * CHUNK
        pltpu.sync_copy(emb_hbm.at[pl.ds(sid * VS, VS)],
                        shared.at[pl.ds(sid * VS, VS)])
        pltpu.sync_copy(tok_hbm.at[pl.ds(base, CHUNK)], idx_v)
        plsc.subcore_barrier()
        pltpu.async_copy(shared.at[idx_v], rows_v, sem).wait()
        pltpu.sync_copy(rows_v, out_hbm.at[pl.ds(base, CHUNK)])

    return gather_kernel(tokens, emb_pad)


def _mean_kernel(parts, D):
    BL = parts[0].shape[0]
    ncb = len(parts)
    scale = 1.0 / ncb

    def body(*refs):
        o_ref = refs[-1]
        s = refs[0][...]
        for r in refs[1:-1]:
            s = s + r[...]
        o_ref[...] = s[:, :D] * scale

    return pl.pallas_call(
        body,
        out_shape=jax.ShapeDtypeStruct((BL, D), jnp.float32),
    )(*parts)


def kernel(audio, w1, b1, w2, b2, w3, b3, codebook, emb_table):
    B = audio.shape[0]
    ncb = codebook.shape[0]
    D = emb_table.shape[1]
    f = _conv_stack(audio, w1, b1, w2, b2, w3, b3)
    cbT = jnp.transpose(codebook, (0, 2, 1))
    emb_pad = jnp.pad(emb_table, ((0, 0), (0, _DP - D)))
    toks = []
    parts = []
    for i in range(ncb):
        t = _vq_tokens_one(f, cbT[i])[:, 0]
        toks.append(t)
        parts.append(_sc_gather_one(t, emb_pad))
    emb = _mean_kernel(parts, D)
    BL = f.shape[0]
    L3 = BL // B
    tokens = jnp.transpose(jnp.stack(toks, 0).reshape(ncb, B, L3), (1, 0, 2))
    embeddings = emb.reshape(B, L3, D)
    return tokens, embeddings

# --- scband reference (transcript-rebuilt; emitter-appended) ---
"""Pipeline reference for scband-audio-encoder-25838523253484 (READ-ONLY COPY).

The authoritative reference and input builder live on the scoring server;
editing this copy changes nothing except your own understanding.
"""

import jax, jax.numpy as jnp
import numpy as np

VOCAB = 8192
HID = 64
CB = 4

def conv1d(x, w, b, stride, pad):
    out = jax.lax.conv_general_dilated(
        x, w, window_strides=(stride,), padding=[(pad, pad)],
        dimension_numbers=('NCH', 'OIH', 'NCH'))
    return out + b[None, :, None]

def setup_inputs(seed: int = 0) -> dict:
    key = jax.random.key(seed)
    ks = jax.random.split(key, 9)
    audio = jax.random.normal(ks[0], (2, 1, 16384), dtype=jnp.float32)
    w1 = jax.random.normal(ks[1], (HID // 4, 1, 7), dtype=jnp.float32) * 0.1
    b1 = jax.random.normal(ks[2], (HID // 4,), dtype=jnp.float32) * 0.01
    w2 = jax.random.normal(ks[3], (HID // 2, HID // 4, 7), dtype=jnp.float32) * 0.1
    b2 = jax.random.normal(ks[4], (HID // 2,), dtype=jnp.float32) * 0.01
    w3 = jax.random.normal(ks[5], (HID, HID // 2, 7), dtype=jnp.float32) * 0.1
    b3 = jax.random.normal(ks[6], (HID,), dtype=jnp.float32) * 0.01
    codebook = jax.random.normal(ks[7], (CB, VOCAB, HID), dtype=jnp.float32)
    emb_table = jax.random.normal(ks[8], (VOCAB, HID), dtype=jnp.float32)
    return {'audio': audio, 'w1': w1, 'b1': b1, 'w2': w2, 'b2': b2,
            'w3': w3, 'b3': b3, 'codebook': codebook, 'emb_table': emb_table}

def _cdist(f, cb):
    # f: [B, L, D], cb: [V, D] -> [B, L, V] euclidean distances
    f2 = jnp.sum(f * f, axis=-1, keepdims=True)          # [B, L, 1]
    c2 = jnp.sum(cb * cb, axis=-1)[None, None, :]        # [1, 1, V]
    d2 = f2 + c2 - 2.0 * jnp.einsum('bld,vd->blv', f, cb)
    return jnp.sqrt(jnp.clip(d2, 0.0, None))

def reference(audio, w1, b1, w2, b2, w3, b3, codebook, emb_table):
    h = conv1d(audio, w1, b1, 2, 3)
    h = jax.nn.relu(h)
    h = conv1d(h, w2, b2, 2, 3)
    h = jax.nn.relu(h)
    h = conv1d(h, w3, b3, 2, 3)          # [B, HID, L]
    features = jnp.transpose(h, (0, 2, 1))  # [B, L, HID]
    tokens_list = []
    emb_list = []
    for i in range(CB):
        distances = _cdist(features, codebook[i])       # [B, L, V]
        tokens = jnp.argmin(distances, axis=-1)          # [B, L]
        emb = jnp.take(emb_table, tokens, axis=0)        # [B, L, HID]
        tokens_list.append(tokens)
        emb_list.append(emb)
    tokens = jnp.stack(tokens_list, axis=1)              # [B, CB, L]
    embeddings = jnp.stack(emb_list, axis=1).mean(axis=1)  # [B, L, HID]
    return (tokens, embeddings)

if __name__ == "__main__":
    import jax
    _d = setup_inputs()
    print(jax.jit(kernel)(*tuple(_d.values())))

</pallas_src>

<mosaic_0001>
#map = affine_map<(d0, d1) -> (0)>
#map1 = affine_map<(d0, d1) -> (0, 0)>
module attributes {stable_mosaic.version = 14 : i64} {
  func.func @gather_kernel(%arg0: i32, %arg1: i32, %arg2: memref<4096xi32, #tpu.memory_space<hbm>>, %arg3: memref<8192x128xf32, #tpu.memory_space<hbm>>, %arg4: memref<4096x128xf32, #tpu.memory_space<hbm>>, %arg5: memref<128xi32, #tpu.memory_space<vmem>>, %arg6: memref<128x128xf32, #tpu.memory_space<vmem>>, %arg7: memref<8192x128xf32, #tpu.memory_space<vmem_shared>>, %arg8: memref<!tpu.dma_semaphore, #tpu.memory_space<semaphore_mem>>) attributes {dimension_semantics = [#tpu.dimension_semantics<core_parallel>, #tpu.dimension_semantics<subcore_parallel>], iteration_bounds = array<i64: 2, 16>, scalar_prefetch = 0 : i64, scratch_operands = 4 : i64, tpu.core_type = #tpu.core_type<sc_vector_subcore>, window_params = [{transform_indices = #map}, {transform_indices = #map1}, {transform_indices = #map1}]} {
    %mul3A = arith.constant 2 : i32
    %mul3A_0 = arith.muli %arg1, %mul3A : i32
    %add3A = arith.addi %mul3A_0, %arg0 : i32
    %mul3A_1 = arith.constant 128 : i32
    %mul3A_2 = arith.muli %add3A, %mul3A_1 : i32
    %mul3A_3 = arith.constant 512 : i32
    %mul3A_4 = arith.muli %arg1, %mul3A_3 : i32
    %mul3A_5 = arith.constant 512 : i32
    %mul3A_6 = arith.muli %arg1, %mul3A_5 : i32
    "tpu.region"() ({
      %run_scoped3A = tpu.sem_alloc : memref<!tpu.dma_semaphore, #tpu.memory_space<semaphore_mem>>
      %dma_start3A_11 = arith.constant 0 : i32
      %dma_start3A_12 = tpu.memref_slice %arg7[%mul3A_6, %dma_start3A_11] : memref<8192x128xf32, #tpu.memory_space<vmem_shared>> -> memref<512x128xf32, #tpu.memory_space<vmem_shared>>
      %dma_start3A_13 = arith.constant 0 : i32
      %dma_start3A_14 = tpu.memref_slice %arg3[%mul3A_4, %dma_start3A_13] : memref<8192x128xf32, #tpu.memory_space<hbm>> -> memref<512x128xf32, #tpu.memory_space<hbm>>
      tpu.enqueue_dma source(%dma_start3A_14 : memref<512x128xf32, #tpu.memory_space<hbm>>) target(%dma_start3A_12 : memref<512x128xf32, #tpu.memory_space<vmem_shared>>) target_semaphore(%run_scoped3A : memref<!tpu.dma_semaphore, #tpu.memory_space<semaphore_mem>>)
      %dma_wait3A_15 = arith.constant 0 : i32
      %dma_wait3A_16 = tpu.memref_slice %arg7[%mul3A_6, %dma_wait3A_15] : memref<8192x128xf32, #tpu.memory_space<vmem_shared>> -> memref<512x128xf32, #tpu.memory_space<vmem_shared>>
      %dma_wait3A_17 = arith.constant 0 : i32
      %dma_wait3A_18 = tpu.memref_slice %arg3[%mul3A_4, %dma_wait3A_17] : memref<8192x128xf32, #tpu.memory_space<hbm>> -> memref<512x128xf32, #tpu.memory_space<hbm>>
      tpu.wait_dma2 semaphore(%run_scoped3A : memref<!tpu.dma_semaphore, #tpu.memory_space<semaphore_mem>>) src(%dma_wait3A_18 : memref<512x128xf32, #tpu.memory_space<hbm>>) dst(%dma_wait3A_16 : memref<512x128xf32, #tpu.memory_space<vmem_shared>>)
      tpu.yield
    }) : () -> ()
    "tpu.region"() ({
      %run_scoped3A = tpu.sem_alloc : memref<!tpu.dma_semaphore, #tpu.memory_space<semaphore_mem>>
      %dma_start3A_11 = tpu.memref_slice %arg2[%mul3A_2] : memref<4096xi32, #tpu.memory_space<hbm>> -> memref<128xi32, #tpu.memory_space<hbm>>
      %dma_start3A_12 = tpu.memref_slice %arg2[%mul3A_2] : memref<4096xi32, #tpu.memory_space<hbm>> -> memref<128xi32, #tpu.memory_space<hbm>>
      tpu.enqueue_dma source(%dma_start3A_12 : memref<128xi32, #tpu.memory_space<hbm>>) target(%arg5 : memref<128xi32, #tpu.memory_space<vmem>>) target_semaphore(%run_scoped3A : memref<!tpu.dma_semaphore, #tpu.memory_space<semaphore_mem>>)
      %dma_wait3A_13 = tpu.memref_slice %arg2[%mul3A_2] : memref<4096xi32, #tpu.memory_space<hbm>> -> memref<128xi32, #tpu.memory_space<hbm>>
      %dma_wait3A_14 = tpu.memref_slice %arg2[%mul3A_2] : memref<4096xi32, #tpu.memory_space<hbm>> -> memref<128xi32, #tpu.memory_space<hbm>>
      tpu.wait_dma2 semaphore(%run_scoped3A : memref<!tpu.dma_semaphore, #tpu.memory_space<semaphore_mem>>) src(%dma_wait3A_14 : memref<128xi32, #tpu.memory_space<hbm>>) dst(%arg5 : memref<128xi32, #tpu.memory_space<vmem>>)
      tpu.yield
    }) : () -> ()
    %barrier3A = arith.constant 0 : index
    tpu.barrier barrier_id(%barrier3A)
    %dma_start3A = arith.constant 0 : i32
    %dma_start3A_7 = arith.constant 0 : i32
    %dma_start3A_8 = tpu.memref_slice %arg7[%dma_start3A, %dma_start3A_7] : memref<8192x128xf32, #tpu.memory_space<vmem_shared>> -> memref<8192x128xf32, #tpu.memory_space<vmem_shared>>
    tpu.enqueue_indirect_dma source(%dma_start3A_8 : memref<8192x128xf32, #tpu.memory_space<vmem_shared>>) target(%arg6 : memref<128x128xf32, #tpu.memory_space<vmem>>) offsets(%arg5 : memref<128xi32, #tpu.memory_space<vmem>>) semaphore(%arg8 : memref<!tpu.dma_semaphore, #tpu.memory_space<semaphore_mem>>)
    %dma_wait3A = arith.constant 0 : i32
    %dma_wait3A_9 = arith.constant 0 : i32
    %dma_wait3A_10 = tpu.memref_slice %arg7[%dma_wait3A, %dma_wait3A_9] : memref<8192x128xf32, #tpu.memory_space<vmem_shared>> -> memref<8192x128xf32, #tpu.memory_space<vmem_shared>>
    tpu.wait_indirect_dma semaphore(%arg8 : memref<!tpu.dma_semaphore, #tpu.memory_space<semaphore_mem>>) src(%dma_wait3A_10 : memref<8192x128xf32, #tpu.memory_space<vmem_shared>>) dst(%arg6 : memref<128x128xf32, #tpu.memory_space<vmem>>)
    "tpu.region"() ({
      %run_scoped3A = tpu.sem_alloc : memref<!tpu.dma_semaphore, #tpu.memory_space<semaphore_mem>>
      %dma_start3A_11 = arith.constant 0 : i32
      %dma_start3A_12 = tpu.memref_slice %arg4[%mul3A_2, %dma_start3A_11] : memref<4096x128xf32, #tpu.memory_space<hbm>> -> memref<128x128xf32, #tpu.memory_space<hbm>>
      %dma_start3A_13 = arith.constant 0 : i32
      %dma_start3A_14 = tpu.memref_slice %arg4[%mul3A_2, %dma_start3A_13] : memref<4096x128xf32, #tpu.memory_space<hbm>> -> memref<128x128xf32, #tpu.memory_space<hbm>>
      tpu.enqueue_dma source(%arg6 : memref<128x128xf32, #tpu.memory_space<vmem>>) target(%dma_start3A_14 : memref<128x128xf32, #tpu.memory_space<hbm>>) target_semaphore(%run_scoped3A : memref<!tpu.dma_semaphore, #tpu.memory_space<semaphore_mem>>)
      %dma_wait3A_15 = arith.constant 0 : i32
      %dma_wait3A_16 = tpu.memref_slice %arg4[%mul3A_2, %dma_wait3A_15] : memref<4096x128xf32, #tpu.memory_space<hbm>> -> memref<128x128xf32, #tpu.memory_space<hbm>>
      %dma_wait3A_17 = arith.constant 0 : i32
      %dma_wait3A_18 = tpu.memref_slice %arg4[%mul3A_2, %dma_wait3A_17] : memref<4096x128xf32, #tpu.memory_space<hbm>> -> memref<128x128xf32, #tpu.memory_space<hbm>>
      tpu.wait_dma2 semaphore(%run_scoped3A : memref<!tpu.dma_semaphore, #tpu.memory_space<semaphore_mem>>) src(%arg6 : memref<128x128xf32, #tpu.memory_space<vmem>>) dst(%dma_wait3A_18 : memref<128x128xf32, #tpu.memory_space<hbm>>)
      tpu.yield
    }) : () -> ()
    return
  }
}

#map = affine_map<(d0, d1) -> (0)>
#map1 = affine_map<(d0, d1) -> (0, 0)>
module attributes {stable_mosaic.version = 14 : i64} {
  func.func @gather_kernel(%arg0: i32, %arg1: i32, %arg2: memref<4096xi32, #tpu.memory_space<hbm>>, %arg3: memref<8192x128xf32, #tpu.memory_space<hbm>>, %arg4: memref<4096x128xf32, #tpu.memory_space<hbm>>, %arg5: memref<128xi32, #tpu.memory_space<vmem>>, %arg6: memref<128x128xf32, #tpu.memory_space<vmem>>, %arg7: memref<8192x128xf32, #tpu.memory_space<vmem_shared>>, %arg8: memref<!tpu.dma_semaphore, #tpu.memory_space<semaphore_mem>>) attributes {dimension_semantics = [#tpu.dimension_semantics<core_parallel>, #tpu.dimension_semantics<subcore_parallel>], iteration_bounds = array<i64: 2, 16>, scalar_prefetch = 0 : i64, scratch_operands = 4 : i64, tpu.core_type = #tpu.core_type<sc_vector_subcore>, window_params = [{transform_indices = #map}, {transform_indices = #map1}, {transform_indices = #map1}]} {
    %mul3A = arith.constant 2 : i32
    %mul3A_0 = arith.muli %arg1, %mul3A : i32
    %add3A = arith.addi %mul3A_0, %arg0 : i32
    %mul3A_1 = arith.constant 128 : i32
    %mul3A_2 = arith.muli %add3A, %mul3A_1 : i32
    %mul3A_3 = arith.constant 512 : i32
    %mul3A_4 = arith.muli %arg1, %mul3A_3 : i32
    %mul3A_5 = arith.constant 512 : i32
    %mul3A_6 = arith.muli %arg1, %mul3A_5 : i32
    "tpu.region"() ({
      %run_scoped3A = tpu.sem_alloc : memref<!tpu.dma_semaphore, #tpu.memory_space<semaphore_mem>>
      %dma_start3A_11 = arith.constant 0 : i32
      %dma_start3A_12 = tpu.memref_slice %arg7[%mul3A_6, %dma_start3A_11] : memref<8192x128xf32, #tpu.memory_space<vmem_shared>> -> memref<512x128xf32, #tpu.memory_space<vmem_shared>>
      %dma_start3A_13 = arith.constant 0 : i32
      %dma_start3A_14 = tpu.memref_slice %arg3[%mul3A_4, %dma_start3A_13] : memref<8192x128xf32, #tpu.memory_space<hbm>> -> memref<512x128xf32, #tpu.memory_space<hbm>>
      tpu.enqueue_dma source(%dma_start3A_14 : memref<512x128xf32, #tpu.memory_space<hbm>>) target(%dma_start3A_12 : memref<512x128xf32, #tpu.memory_space<vmem_shared>>) target_semaphore(%run_scoped3A : memref<!tpu.dma_semaphore, #tpu.memory_space<semaphore_mem>>)
      %dma_wait3A_15 = arith.constant 0 : i32
      %dma_wait3A_16 = tpu.memref_slice %arg7[%mul3A_6, %dma_wait3A_15] : memref<8192x128xf32, #tpu.memory_space<vmem_shared>> -> memref<512x128xf32, #tpu.memory_space<vmem_shared>>
      %dma_wait3A_17 = arith.constant 0 : i32
      %dma_wait3A_18 = tpu.memref_slice %arg3[%mul3A_4, %dma_wait3A_17] : memref<8192x128xf32, #tpu.memory_space<hbm>> -> memref<512x128xf32, #tpu.memory_space<hbm>>
      tpu.wait_dma2 semaphore(%run_scoped3A : memref<!tpu.dma_semaphore, #tpu.memory_space<semaphore_mem>>) src(%dma_wait3A_18 : memref<512x128xf32, #tpu.memory_space<hbm>>) dst(%dma_wait3A_16 : memref<512x128xf32, #tpu.memory_space<vmem_shared>>)
      tpu.yield
    }) : () -> ()
    "tpu.region"() ({
      %run_scoped3A = tpu.sem_alloc : memref<!tpu.dma_semaphore, #tpu.memory_space<semaphore_mem>>
      %dma_start3A_11 = tpu.memref_slice %arg2[%mul3A_2] : memref<4096xi32, #tpu.memory_space<hbm>> -> memref<128xi32, #tpu.memory_space<hbm>>
      %dma_start3A_12 = tpu.memref_slice %arg2[%mul3A_2] : memref<4096xi32, #tpu.memory_space<hbm>> -> memref<128xi32, #tpu.memory_space<hbm>>
      tpu.enqueue_dma source(%dma_start3A_12 : memref<128xi32, #tpu.memory_space<hbm>>) target(%arg5 : memref<128xi32, #tpu.memory_space<vmem>>) target_semaphore(%run_scoped3A : memref<!tpu.dma_semaphore, #tpu.memory_space<semaphore_mem>>)
      %dma_wait3A_13 = tpu.memref_slice %arg2[%mul3A_2] : memref<4096xi32, #tpu.memory_space<hbm>> -> memref<128xi32, #tpu.memory_space<hbm>>
      %dma_wait3A_14 = tpu.memref_slice %arg2[%mul3A_2] : memref<4096xi32, #tpu.memory_space<hbm>> -> memref<128xi32, #tpu.memory_space<hbm>>
      tpu.wait_dma2 semaphore(%run_scoped3A : memref<!tpu.dma_semaphore, #tpu.memory_space<semaphore_mem>>) src(%dma_wait3A_14 : memref<128xi32, #tpu.memory_space<hbm>>) dst(%arg5 : memref<128xi32, #tpu.memory_space<vmem>>)
      tpu.yield
    }) : () -> ()
    %barrier3A = arith.constant 0 : index
    tpu.barrier barrier_id(%barrier3A)
    %dma_start3A = arith.constant 0 : i32
    %dma_start3A_7 = arith.constant 0 : i32
    %dma_start3A_8 = tpu.memref_slice %arg7[%dma_start3A, %dma_start3A_7] : memref<8192x128xf32, #tpu.memory_space<vmem_shared>> -> memref<8192x128xf32, #tpu.memory_space<vmem_shared>>
    tpu.enqueue_indirect_dma source(%dma_start3A_8 : memref<8192x128xf32, #tpu.memory_space<vmem_shared>>) target(%arg6 : memref<128x128xf32, #tpu.memory_space<vmem>>) offsets(%arg5 : memref<128xi32, #tpu.memory_space<vmem>>) semaphore(%arg8 : memref<!tpu.dma_semaphore, #tpu.memory_space<semaphore_mem>>)
    %dma_wait3A = arith.constant 0 : i32
    %dma_wait3A_9 = arith.constant 0 : i32
    %dma_wait3A_10 = tpu.memref_slice %arg7[%dma_wait3A, %dma_wait3A_9] : memref<8192x128xf32, #tpu.memory_space<vmem_shared>> -> memref<8192x128xf32, #tpu.memory_space<vmem_shared>>
    tpu.wait_indirect_dma semaphore(%arg8 : memref<!tpu.dma_semaphore, #tpu.memory_space<semaphore_mem>>) src(%dma_wait3A_10 : memref<8192x128xf32, #tpu.memory_space<vmem_shared>>) dst(%arg6 : memref<128x128xf32, #tpu.memory_space<vmem>>)
    "tpu.region"() ({
      %run_scoped3A = tpu.sem_alloc : memref<!tpu.dma_semaphore, #tpu.memory_space<semaphore_mem>>
      %dma_start3A_11 = arith.constant 0 : i32
      %dma_start3A_12 = tpu.memref_slice %arg4[%mul3A_2, %dma_start3A_11] : memref<4096x128xf32, #tpu.memory_space<hbm>> -> memref<128x128xf32, #tpu.memory_space<hbm>>
      %dma_start3A_13 = arith.constant 0 : i32
      %dma_start3A_14 = tpu.memref_slice %arg4[%mul3A_2, %dma_start3A_13] : memref<4096x128xf32, #tpu.memory_space<hbm>> -> memref<128x128xf32, #tpu.memory_space<hbm>>
      tpu.enqueue_dma source(%arg6 : memref<128x128xf32, #tpu.memory_space<vmem>>) target(%dma_start3A_14 : memref<128x128xf32, #tpu.memory_space<hbm>>) target_semaphore(%run_scoped3A : memref<!tpu.dma_semaphore, #tpu.memory_space<semaphore_mem>>)
      %dma_wait3A_15 = arith.constant 0 : i32
      %dma_wait3A_16 = tpu.memref_slice %arg4[%mul3A_2, %dma_wait3A_15] : memref<4096x128xf32, #tpu.memory_space<hbm>> -> memref<128x128xf32, #tpu.memory_space<hbm>>
      %dma_wait3A_17 = arith.constant 0 : i32
      %dma_wait3A_18 = tpu.memref_slice %arg4[%mul3A_2, %dma_wait3A_17] : memref<4096x128xf32, #tpu.memory_space<hbm>> -> memref<128x128xf32, #tpu.memory_space<hbm>>
      tpu.wait_dma2 semaphore(%run_scoped3A : memref<!tpu.dma_semaphore, #tpu.memory_space<semaphore_mem>>) src(%arg6 : memref<128x128xf32, #tpu.memory_space<vmem>>) dst(%dma_wait3A_18 : memref<128x128xf32, #tpu.memory_space<hbm>>)
      tpu.yield
    }) : () -> ()
    return
  }
}

#map = affine_map<(d0, d1) -> (0)>
#map1 = affine_map<(d0, d1) -> (0, 0)>
module attributes {stable_mosaic.version = 14 : i64} {
  func.func @gather_kernel(%arg0: i32, %arg1: i32, %arg2: memref<4096xi32, #tpu.memory_space<hbm>>, %arg3: memref<8192x128xf32, #tpu.memory_space<hbm>>, %arg4: memref<4096x128xf32, #tpu.memory_space<hbm>>, %arg5: memref<128xi32, #tpu.memory_space<vmem>>, %arg6: memref<128x128xf32, #tpu.memory_space<vmem>>, %arg7: memref<8192x128xf32, #tpu.memory_space<vmem_shared>>, %arg8: memref<!tpu.dma_semaphore, #tpu.memory_space<semaphore_mem>>) attributes {dimension_semantics = [#tpu.dimension_semantics<core_parallel>, #tpu.dimension_semantics<subcore_parallel>], iteration_bounds = array<i64: 2, 16>, scalar_prefetch = 0 : i64, scratch_operands = 4 : i64, tpu.core_type = #tpu.core_type<sc_vector_subcore>, window_params = [{transform_indices = #map}, {transform_indices = #map1}, {transform_indices = #map1}]} {
    %mul3A = arith.constant 2 : i32
    %mul3A_0 = arith.muli %arg1, %mul3A : i32
    %add3A = arith.addi %mul3A_0, %arg0 : i32
    %mul3A_1 = arith.constant 128 : i32
    %mul3A_2 = arith.muli %add3A, %mul3A_1 : i32
    %mul3A_3 = arith.constant 512 : i32
    %mul3A_4 = arith.muli %arg1, %mul3A_3 : i32
    %mul3A_5 = arith.constant 512 : i32
    %mul3A_6 = arith.muli %arg1, %mul3A_5 : i32
    "tpu.region"() ({
      %run_scoped3A = tpu.sem_alloc : memref<!tpu.dma_semaphore, #tpu.memory_space<semaphore_mem>>
      %dma_start3A_11 = arith.constant 0 : i32
      %dma_start3A_12 = tpu.memref_slice %arg7[%mul3A_6, %dma_start3A_11] : memref<8192x128xf32, #tpu.memory_space<vmem_shared>> -> memref<512x128xf32, #tpu.memory_space<vmem_shared>>
      %dma_start3A_13 = arith.constant 0 : i32
      %dma_start3A_14 = tpu.memref_slice %arg3[%mul3A_4, %dma_start3A_13] : memref<8192x128xf32, #tpu.memory_space<hbm>> -> memref<512x128xf32, #tpu.memory_space<hbm>>
      tpu.enqueue_dma source(%dma_start3A_14 : memref<512x128xf32, #tpu.memory_space<hbm>>) target(%dma_start3A_12 : memref<512x128xf32, #tpu.memory_space<vmem_shared>>) target_semaphore(%run_scoped3A : memref<!tpu.dma_semaphore, #tpu.memory_space<semaphore_mem>>)
      %dma_wait3A_15 = arith.constant 0 : i32
      %dma_wait3A_16 = tpu.memref_slice %arg7[%mul3A_6, %dma_wait3A_15] : memref<8192x128xf32, #tpu.memory_space<vmem_shared>> -> memref<512x128xf32, #tpu.memory_space<vmem_shared>>
      %dma_wait3A_17 = arith.constant 0 : i32
      %dma_wait3A_18 = tpu.memref_slice %arg3[%mul3A_4, %dma_wait3A_17] : memref<8192x128xf32, #tpu.memory_space<hbm>> -> memref<512x128xf32, #tpu.memory_space<hbm>>
      tpu.wait_dma2 semaphore(%run_scoped3A : memref<!tpu.dma_semaphore, #tpu.memory_space<semaphore_mem>>) src(%dma_wait3A_18 : memref<512x128xf32, #tpu.memory_space<hbm>>) dst(%dma_wait3A_16 : memref<512x128xf32, #tpu.memory_space<vmem_shared>>)
      tpu.yield
    }) : () -> ()
    "tpu.region"() ({
      %run_scoped3A = tpu.sem_alloc : memref<!tpu.dma_semaphore, #tpu.memory_space<semaphore_mem>>
      %dma_start3A_11 = tpu.memref_slice %arg2[%mul3A_2] : memref<4096xi32, #tpu.memory_space<hbm>> -> memref<128xi32, #tpu.memory_space<hbm>>
      %dma_start3A_12 = tpu.memref_slice %arg2[%mul3A_2] : memref<4096xi32, #tpu.memory_space<hbm>> -> memref<128xi32, #tpu.memory_space<hbm>>
      tpu.enqueue_dma source(%dma_start3A_12 : memref<128xi32, #tpu.memory_space<hbm>>) target(%arg5 : memref<128xi32, #tpu.memory_space<vmem>>) target_semaphore(%run_scoped3A : memref<!tpu.dma_semaphore, #tpu.memory_space<semaphore_mem>>)
      %dma_wait3A_13 = tpu.memref_slice %arg2[%mul3A_2] : memref<4096xi32, #tpu.memory_space<hbm>> -> memref<128xi32, #tpu.memory_space<hbm>>
      %dma_wait3A_14 = tpu.memref_slice %arg2[%mul3A_2] : memref<4096xi32, #tpu.memory_space<hbm>> -> memref<128xi32, #tpu.memory_space<hbm>>
      tpu.wait_dma2 semaphore(%run_scoped3A : memref<!tpu.dma_semaphore, #tpu.memory_space<semaphore_mem>>) src(%dma_wait3A_14 : memref<128xi32, #tpu.memory_space<hbm>>) dst(%arg5 : memref<128xi32, #tpu.memory_space<vmem>>)
      tpu.yield
    }) : () -> ()
    %barrier3A = arith.constant 0 : index
    tpu.barrier barrier_id(%barrier3A)
    %dma_start3A = arith.constant 0 : i32
    %dma_start3A_7 = arith.constant 0 : i32
    %dma_start3A_8 = tpu.memref_slice %arg7[%dma_start3A, %dma_start3A_7] : memref<8192x128xf32, #tpu.memory_space<vmem_shared>> -> memref<8192x128xf32, #tpu.memory_space<vmem_shared>>
    tpu.enqueue_indirect_dma source(%dma_start3A_8 : memref<8192x128xf32, #tpu.memory_space<vmem_shared>>) target(%arg6 : memref<128x128xf32, #tpu.memory_space<vmem>>) offsets(%arg5 : memref<128xi32, #tpu.memory_space<vmem>>) semaphore(%arg8 : memref<!tpu.dma_semaphore, #tpu.memory_space<semaphore_mem>>)
    %dma_wait3A = arith.constant 0 : i32
    %dma_wait3A_9 = arith.constant 0 : i32
    %dma_wait3A_10 = tpu.memref_slice %arg7[%dma_wait3A, %dma_wait3A_9] : memref<8192x128xf32, #tpu.memory_space<vmem_shared>> -> memref<8192x128xf32, #tpu.memory_space<vmem_shared>>
    tpu.wait_indirect_dma semaphore(%arg8 : memref<!tpu.dma_semaphore, #tpu.memory_space<semaphore_mem>>) src(%dma_wait3A_10 : memref<8192x128xf32, #tpu.memory_space<vmem_shared>>) dst(%arg6 : memref<128x128xf32, #tpu.memory_space<vmem>>)
    "tpu.region"() ({
      %run_scoped3A = tpu.sem_alloc : memref<!tpu.dma_semaphore, #tpu.memory_space<semaphore_mem>>
      %dma_start3A_11 = arith.constant 0 : i32
      %dma_start3A_12 = tpu.memref_slice %arg4[%mul3A_2, %dma_start3A_11] : memref<4096x128xf32, #tpu.memory_space<hbm>> -> memref<128x128xf32, #tpu.memory_space<hbm>>
      %dma_start3A_13 = arith.constant 0 : i32
      %dma_start3A_14 = tpu.memref_slice %arg4[%mul3A_2, %dma_start3A_13] : memref<4096x128xf32, #tpu.memory_space<hbm>> -> memref<128x128xf32, #tpu.memory_space<hbm>>
      tpu.enqueue_dma source(%arg6 : memref<128x128xf32, #tpu.memory_space<vmem>>) target(%dma_start3A_14 : memref<128x128xf32, #tpu.memory_space<hbm>>) target_semaphore(%run_scoped3A : memref<!tpu.dma_semaphore, #tpu.memory_space<semaphore_mem>>)
      %dma_wait3A_15 = arith.constant 0 : i32
      %dma_wait3A_16 = tpu.memref_slice %arg4[%mul3A_2, %dma_wait3A_15] : memref<4096x128xf32, #tpu.memory_space<hbm>> -> memref<128x128xf32, #tpu.memory_space<hbm>>
      %dma_wait3A_17 = arith.constant 0 : i32
      %dma_wait3A_18 = tpu.memref_slice %arg4[%mul3A_2, %dma_wait3A_17] : memref<4096x128xf32, #tpu.memory_space<hbm>> -> memref<128x128xf32, #tpu.memory_space<hbm>>
      tpu.wait_dma2 semaphore(%run_scoped3A : memref<!tpu.dma_semaphore, #tpu.memory_space<semaphore_mem>>) src(%arg6 : memref<128x128xf32, #tpu.memory_space<vmem>>) dst(%dma_wait3A_18 : memref<128x128xf32, #tpu.memory_space<hbm>>)
      tpu.yield
    }) : () -> ()
    return
  }
}

#map = affine_map<(d0, d1) -> (0)>
#map1 = affine_map<(d0, d1) -> (0, 0)>
module attributes {stable_mosaic.version = 14 : i64} {
  func.func @gather_kernel(%arg0: i32, %arg1: i32, %arg2: memref<4096xi32, #tpu.memory_space<hbm>>, %arg3: memref<8192x128xf32, #tpu.memory_space<hbm>>, %arg4: memref<4096x128xf32, #tpu.memory_space<hbm>>, %arg5: memref<128xi32, #tpu.memory_space<vmem>>, %arg6: memref<128x128xf32, #tpu.memory_space<vmem>>, %arg7: memref<8192x128xf32, #tpu.memory_space<vmem_shared>>, %arg8: memref<!tpu.dma_semaphore, #tpu.memory_space<semaphore_mem>>) attributes {dimension_semantics = [#tpu.dimension_semantics<core_parallel>, #tpu.dimension_semantics<subcore_parallel>], iteration_bounds = array<i64: 2, 16>, scalar_prefetch = 0 : i64, scratch_operands = 4 : i64, tpu.core_type = #tpu.core_type<sc_vector_subcore>, window_params = [{transform_indices = #map}, {transform_indices = #map1}, {transform_indices = #map1}]} {
    %mul3A = arith.constant 2 : i32
    %mul3A_0 = arith.muli %arg1, %mul3A : i32
    %add3A = arith.addi %mul3A_0, %arg0 : i32
    %mul3A_1 = arith.constant 128 : i32
    %mul3A_2 = arith.muli %add3A, %mul3A_1 : i32
    %mul3A_3 = arith.constant 512 : i32
    %mul3A_4 = arith.muli %arg1, %mul3A_3 : i32
    %mul3A_5 = arith.constant 512 : i32
    %mul3A_6 = arith.muli %arg1, %mul3A_5 : i32
    "tpu.region"() ({
      %run_scoped3A = tpu.sem_alloc : memref<!tpu.dma_semaphore, #tpu.memory_space<semaphore_mem>>
      %dma_start3A_11 = arith.constant 0 : i32
      %dma_start3A_12 = tpu.memref_slice %arg7[%mul3A_6, %dma_start3A_11] : memref<8192x128xf32, #tpu.memory_space<vmem_shared>> -> memref<512x128xf32, #tpu.memory_space<vmem_shared>>
      %dma_start3A_13 = arith.constant 0 : i32
      %dma_start3A_14 = tpu.memref_slice %arg3[%mul3A_4, %dma_start3A_13] : memref<8192x128xf32, #tpu.memory_space<hbm>> -> memref<512x128xf32, #tpu.memory_space<hbm>>
      tpu.enqueue_dma source(%dma_start3A_14 : memref<512x128xf32, #tpu.memory_space<hbm>>) target(%dma_start3A_12 : memref<512x128xf32, #tpu.memory_space<vmem_shared>>) target_semaphore(%run_scoped3A : memref<!tpu.dma_semaphore, #tpu.memory_space<semaphore_mem>>)
      %dma_wait3A_15 = arith.constant 0 : i32
      %dma_wait3A_16 = tpu.memref_slice %arg7[%mul3A_6, %dma_wait3A_15] : memref<8192x128xf32, #tpu.memory_space<vmem_shared>> -> memref<512x128xf32, #tpu.memory_space<vmem_shared>>
      %dma_wait3A_17 = arith.constant 0 : i32
      %dma_wait3A_18 = tpu.memref_slice %arg3[%mul3A_4, %dma_wait3A_17] : memref<8192x128xf32, #tpu.memory_space<hbm>> -> memref<512x128xf32, #tpu.memory_space<hbm>>
      tpu.wait_dma2 semaphore(%run_scoped3A : memref<!tpu.dma_semaphore, #tpu.memory_space<semaphore_mem>>) src(%dma_wait3A_18 : memref<512x128xf32, #tpu.memory_space<hbm>>) dst(%dma_wait3A_16 : memref<512x128xf32, #tpu.memory_space<vmem_shared>>)
      tpu.yield
    }) : () -> ()
    "tpu.region"() ({
      %run_scoped3A = tpu.sem_alloc : memref<!tpu.dma_semaphore, #tpu.memory_space<semaphore_mem>>
      %dma_start3A_11 = tpu.memref_slice %arg2[%mul3A_2] : memref<4096xi32, #tpu.memory_space<hbm>> -> memref<128xi32, #tpu.memory_space<hbm>>
      %dma_start3A_12 = tpu.memref_slice %arg2[%mul3A_2] : memref<4096xi32, #tpu.memory_space<hbm>> -> memref<128xi32, #tpu.memory_space<hbm>>
      tpu.enqueue_dma source(%dma_start3A_12 : memref<128xi32, #tpu.memory_space<hbm>>) target(%arg5 : memref<128xi32, #tpu.memory_space<vmem>>) target_semaphore(%run_scoped3A : memref<!tpu.dma_semaphore, #tpu.memory_space<semaphore_mem>>)
      %dma_wait3A_13 = tpu.memref_slice %arg2[%mul3A_2] : memref<4096xi32, #tpu.memory_space<hbm>> -> memref<128xi32, #tpu.memory_space<hbm>>
      %dma_wait3A_14 = tpu.memref_slice %arg2[%mul3A_2] : memref<4096xi32, #tpu.memory_space<hbm>> -> memref<128xi32, #tpu.memory_space<hbm>>
      tpu.wait_dma2 semaphore(%run_scoped3A : memref<!tpu.dma_semaphore, #tpu.memory_space<semaphore_mem>>) src(%dma_wait3A_14 : memref<128xi32, #tpu.memory_space<hbm>>) dst(%arg5 : memref<128xi32, #tpu.memory_space<vmem>>)
      tpu.yield
    }) : () -> ()
    %barrier3A = arith.constant 0 : index
    tpu.barrier barrier_id(%barrier3A)
    %dma_start3A = arith.constant 0 : i32
    %dma_start3A_7 = arith.constant 0 : i32
    %dma_start3A_8 = tpu.memref_slice %arg7[%dma_start3A, %dma_start3A_7] : memref<8192x128xf32, #tpu.memory_space<vmem_shared>> -> memref<8192x128xf32, #tpu.memory_space<vmem_shared>>
    tpu.enqueue_indirect_dma source(%dma_start3A_8 : memref<8192x128xf32, #tpu.memory_space<vmem_shared>>) target(%arg6 : memref<128x128xf32, #tpu.memory_space<vmem>>) offsets(%arg5 : memref<128xi32, #tpu.memory_space<vmem>>) semaphore(%arg8 : memref<!tpu.dma_semaphore, #tpu.memory_space<semaphore_mem>>)
    %dma_wait3A = arith.constant 0 : i32
    %dma_wait3A_9 = arith.constant 0 : i32
    %dma_wait3A_10 = tpu.memref_slice %arg7[%dma_wait3A, %dma_wait3A_9] : memref<8192x128xf32, #tpu.memory_space<vmem_shared>> -> memref<8192x128xf32, #tpu.memory_space<vmem_shared>>
    tpu.wait_indirect_dma semaphore(%arg8 : memref<!tpu.dma_semaphore, #tpu.memory_space<semaphore_mem>>) src(%dma_wait3A_10 : memref<8192x128xf32, #tpu.memory_space<vmem_shared>>) dst(%arg6 : memref<128x128xf32, #tpu.memory_space<vmem>>)
    "tpu.region"() ({
      %run_scoped3A = tpu.sem_alloc : memref<!tpu.dma_semaphore, #tpu.memory_space<semaphore_mem>>
      %dma_start3A_11 = arith.constant 0 : i32
      %dma_start3A_12 = tpu.memref_slice %arg4[%mul3A_2, %dma_start3A_11] : memref<4096x128xf32, #tpu.memory_space<hbm>> -> memref<128x128xf32, #tpu.memory_space<hbm>>
      %dma_start3A_13 = arith.constant 0 : i32
      %dma_start3A_14 = tpu.memref_slice %arg4[%mul3A_2, %dma_start3A_13] : memref<4096x128xf32, #tpu.memory_space<hbm>> -> memref<128x128xf32, #tpu.memory_space<hbm>>
      tpu.enqueue_dma source(%arg6 : memref<128x128xf32, #tpu.memory_space<vmem>>) target(%dma_start3A_14 : memref<128x128xf32, #tpu.memory_space<hbm>>) target_semaphore(%run_scoped3A : memref<!tpu.dma_semaphore, #tpu.memory_space<semaphore_mem>>)
      %dma_wait3A_15 = arith.constant 0 : i32
      %dma_wait3A_16 = tpu.memref_slice %arg4[%mul3A_2, %dma_wait3A_15] : memref<4096x128xf32, #tpu.memory_space<hbm>> -> memref<128x128xf32, #tpu.memory_space<hbm>>
      %dma_wait3A_17 = arith.constant 0 : i32
      %dma_wait3A_18 = tpu.memref_slice %arg4[%mul3A_2, %dma_wait3A_17] : memref<4096x128xf32, #tpu.memory_space<hbm>> -> memref<128x128xf32, #tpu.memory_space<hbm>>
      tpu.wait_dma2 semaphore(%run_scoped3A : memref<!tpu.dma_semaphore, #tpu.memory_space<semaphore_mem>>) src(%arg6 : memref<128x128xf32, #tpu.memory_space<vmem>>) dst(%dma_wait3A_18 : memref<128x128xf32, #tpu.memory_space<hbm>>)
      tpu.yield
    }) : () -> ()
    return
  }
}

module attributes {stable_mosaic.version = 14 : i64} {
  func.func @body(%arg0: i32, %arg1: memref<1x8195x2xf32, #tpu.memory_space<vmem>>, %arg2: memref<8x16xf32, #tpu.memory_space<vmem>>, %arg3: memref<1x16xf32, #tpu.memory_space<vmem>>, %arg4: memref<1x8192x16xf32, #tpu.memory_space<vmem>>) attributes {dimension_semantics = [#tpu.dimension_semantics<arbitrary>], iteration_bounds = array<i64: 2>, scalar_prefetch = 0 : i64, scratch_operands = 0 : i64, tpu.core_type = #tpu.core_type<tc>, window_params = [{transform_indices = @transform_0, window_bounds = array<i64: 1, 8195, 2>}, {pipeline_mode = #tpu.pipeline_mode<synchronous>, transform_indices = @transform_1, window_bounds = array<i64: 8, 16>}, {pipeline_mode = #tpu.pipeline_mode<synchronous>, transform_indices = @transform_2, window_bounds = array<i64: 1, 16>}, {transform_indices = @transform_3, window_bounds = array<i64: 1, 8192, 16>}]} {
    %get3A = arith.constant 0 : index
    %get3A_0 = arith.constant 0 : index
    %get3A_1 = arith.constant 0 : index
    %get3A_2 = vector.load %arg1[%get3A, %get3A_0, %get3A_1] : memref<1x8195x2xf32, #tpu.memory_space<vmem>>, vector<1x8195x2xf32>
    %get3A_3 = vector.shape_cast %get3A_2 : vector<1x8195x2xf32> to vector<8195x2xf32>
    %slice3A = vector.extract_strided_slice %get3A_3 {offsets = [0, 0], sizes = [8192, 2], strides = [1, 1]} : vector<8195x2xf32> to vector<8192x2xf32>
    %slice3A_4 = vector.extract_strided_slice %get3A_3 {offsets = [1, 0], sizes = [8192, 2], strides = [1, 1]} : vector<8195x2xf32> to vector<8192x2xf32>
    %slice3A_5 = vector.extract_strided_slice %get3A_3 {offsets = [2, 0], sizes = [8192, 2], strides = [1, 1]} : vector<8195x2xf32> to vector<8192x2xf32>
    %slice3A_6 = vector.extract_strided_slice %get3A_3 {offsets = [3, 0], sizes = [8192, 2], strides = [1, 1]} : vector<8195x2xf32> to vector<8192x2xf32>
    %concatenate3A = tpu.concatenate %slice3A, %slice3A_4, %slice3A_5, %slice3A_6 in 1 : vector<8192x2xf32>, vector<8192x2xf32>, vector<8192x2xf32>, vector<8192x2xf32> -> vector<8192x8xf32>
    %get3A_7 = arith.constant 0 : index
    %get3A_8 = arith.constant 0 : index
    %get3A_9 = vector.load %arg2[%get3A_7, %get3A_8] : memref<8x16xf32, #tpu.memory_space<vmem>>, vector<8x16xf32>
    %dot_general3A = arith.constant dense<0.000000e+00> : vector<8192x16xf32>
    %dot_general3A_10 = tpu.matmul %concatenate3A, %get3A_9, %dot_general3A {dimension_numbers = #tpu.dot_dimension_numbers<[1], [0], [0], [1], [0, 0, 1, 1], [], []>, transpose_lhs_hint = false} : vector<8192x8xf32>, vector<8x16xf32>, vector<8192x16xf32> -> vector<8192x16xf32>
    %get3A_11 = arith.constant 0 : index
    %get3A_12 = arith.constant 0 : index
    %get3A_13 = vector.load %arg3[%get3A_11, %get3A_12] : memref<1x16xf32, #tpu.memory_space<vmem>>, vector<1x16xf32>
    %add3A = vector.broadcast %get3A_13 : vector<1x16xf32> to vector<8192x16xf32>
    %add3A_14 = arith.addf %dot_general3A_10, %add3A : vector<8192x16xf32>
    %max3A = arith.constant 0.000000e+00 : f32
    %max3A_15 = vector.broadcast %max3A : f32 to vector<8192x16xf32>
    %max3A_16 = arith.maximumf %add3A_14, %max3A_15 : vector<8192x16xf32>
    %swap3A = arith.constant 0 : index
    %swap3A_17 = arith.constant 0 : index
    %swap3A_18 = arith.constant 0 : index
    %swap3A_19 = vector.load %arg4[%swap3A, %swap3A_17, %swap3A_18] : memref<1x8192x16xf32, #tpu.memory_space<vmem>>, vector<1x8192x16xf32>
    %swap3A_20 = vector.shape_cast %swap3A_19 : vector<1x8192x16xf32> to vector<8192x16xf32>
    %swap3A_21 = vector.shape_cast %max3A_16 : vector<8192x16xf32> to vector<1x8192x16xf32>
    tpu.vector_store %arg4[%swap3A, %swap3A_17, %swap3A_18], %swap3A_21 {strides = array<i32>} : memref<1x8192x16xf32, #tpu.memory_space<vmem>>, vector<1x8192x16xf32>,
    return
  }
  func.func @transform_0(%arg0: i32) -> (i32, i32, i32) {
    %c0_i32 = arith.constant 0 : i32
    %c0_i32_0 = arith.constant 0 : i32
    %c0_i32_1 = arith.constant 0 : i32
    return %arg0, %c0_i32, %c0_i32_0 : i32, i32, i32
  }
  func.func @transform_1(%arg0: i32) -> (i32, i32) {
    %c0_i32 = arith.constant 0 : i32
    %c0_i32_0 = arith.constant 0 : i32
    %c0_i32_1 = arith.constant 0 : i32
    return %c0_i32, %c0_i32_0 : i32, i32
  }
  func.func @transform_2(%arg0: i32) -> (i32, i32) {
    %c0_i32 = arith.constant 0 : i32
    %c0_i32_0 = arith.constant 0 : i32
    %c0_i32_1 = arith.constant 0 : i32
    return %c0_i32, %c0_i32_0 : i32, i32
  }
  func.func @transform_3(%arg0: i32) -> (i32, i32, i32) {
    %c0_i32 = arith.constant 0 : i32
    %c0_i32_0 = arith.constant 0 : i32
    %c0_i32_1 = arith.constant 0 : i32
    return %arg0, %c0_i32, %c0_i32_0 : i32, i32, i32
  }
}

module attributes {stable_mosaic.version = 14 : i64} {
  func.func @body(%arg0: i32, %arg1: memref<1x4099x32xf32, #tpu.memory_space<vmem>>, %arg2: memref<128x32xf32, #tpu.memory_space<vmem>>, %arg3: memref<1x32xf32, #tpu.memory_space<vmem>>, %arg4: memref<1x4096x32xf32, #tpu.memory_space<vmem>>) attributes {dimension_semantics = [#tpu.dimension_semantics<arbitrary>], iteration_bounds = array<i64: 2>, scalar_prefetch = 0 : i64, scratch_operands = 0 : i64, tpu.core_type = #tpu.core_type<tc>, window_params = [{transform_indices = @transform_0, window_bounds = array<i64: 1, 4099, 32>}, {pipeline_mode = #tpu.pipeline_mode<synchronous>, transform_indices = @transform_1, window_bounds = array<i64: 128, 32>}, {pipeline_mode = #tpu.pipeline_mode<synchronous>, transform_indices = @transform_2, window_bounds = array<i64: 1, 32>}, {transform_indices = @transform_3, window_bounds = array<i64: 1, 4096, 32>}]} {
    %get3A = arith.constant 0 : index
    %get3A_0 = arith.constant 0 : index
    %get3A_1 = arith.constant 0 : index
    %get3A_2 = vector.load %arg1[%get3A, %get3A_0, %get3A_1] : memref<1x4099x32xf32, #tpu.memory_space<vmem>>, vector<1x4099x32xf32>
    %get3A_3 = vector.shape_cast %get3A_2 : vector<1x4099x32xf32> to vector<4099x32xf32>
    %slice3A = vector.extract_strided_slice %get3A_3 {offsets = [0, 0], sizes = [4096, 32], strides = [1, 1]} : vector<4099x32xf32> to vector<4096x32xf32>
    %slice3A_4 = vector.extract_strided_slice %get3A_3 {offsets = [1, 0], sizes = [4096, 32], strides = [1, 1]} : vector<4099x32xf32> to vector<4096x32xf32>
    %slice3A_5 = vector.extract_strided_slice %get3A_3 {offsets = [2, 0], sizes = [4096, 32], strides = [1, 1]} : vector<4099x32xf32> to vector<4096x32xf32>
    %slice3A_6 = vector.extract_strided_slice %get3A_3 {offsets = [3, 0], sizes = [4096, 32], strides = [1, 1]} : vector<4099x32xf32> to vector<4096x32xf32>
    %concatenate3A = tpu.concatenate %slice3A, %slice3A_4, %slice3A_5, %slice3A_6 in 1 : vector<4096x32xf32>, vector<4096x32xf32>, vector<4096x32xf32>, vector<4096x32xf32> -> vector<4096x128xf32>
    %get3A_7 = arith.constant 0 : index
    %get3A_8 = arith.constant 0 : index
    %get3A_9 = vector.load %arg2[%get3A_7, %get3A_8] : memref<128x32xf32, #tpu.memory_space<vmem>>, vector<128x32xf32>
    %dot_general3A = arith.constant dense<0.000000e+00> : vector<4096x32xf32>
    %dot_general3A_10 = tpu.matmul %concatenate3A, %get3A_9, %dot_general3A {dimension_numbers = #tpu.dot_dimension_numbers<[1], [0], [0], [1], [0, 0, 1, 1], [], []>, transpose_lhs_hint = false} : vector<4096x128xf32>, vector<128x32xf32>, vector<4096x32xf32> -> vector<4096x32xf32>
    %get3A_11 = arith.constant 0 : index
    %get3A_12 = arith.constant 0 : index
    %get3A_13 = vector.load %arg3[%get3A_11, %get3A_12] : memref<1x32xf32, #tpu.memory_space<vmem>>, vector<1x32xf32>
    %add3A = vector.broadcast %get3A_13 : vector<1x32xf32> to vector<4096x32xf32>
    %add3A_14 = arith.addf %dot_general3A_10, %add3A : vector<4096x32xf32>
    %max3A = arith.constant 0.000000e+00 : f32
    %max3A_15 = vector.broadcast %max3A : f32 to vector<4096x32xf32>
    %max3A_16 = arith.maximumf %add3A_14, %max3A_15 : vector<4096x32xf32>
    %swap3A = arith.constant 0 : index
    %swap3A_17 = arith.constant 0 : index
    %swap3A_18 = arith.constant 0 : index
    %swap3A_19 = vector.load %arg4[%swap3A, %swap3A_17, %swap3A_18] : memref<1x4096x32xf32, #tpu.memory_space<vmem>>, vector<1x4096x32xf32>
    %swap3A_20 = vector.shape_cast %swap3A_19 : vector<1x4096x32xf32> to vector<4096x32xf32>
    %swap3A_21 = vector.shape_cast %max3A_16 : vector<4096x32xf32> to vector<1x4096x32xf32>
    tpu.vector_store %arg4[%swap3A, %swap3A_17, %swap3A_18], %swap3A_21 {strides = array<i32>} : memref<1x4096x32xf32, #tpu.memory_space<vmem>>, vector<1x4096x32xf32>,
    return
  }
  func.func @transform_0(%arg0: i32) -> (i32, i32, i32) {
    %c0_i32 = arith.constant 0 : i32
    %c0_i32_0 = arith.constant 0 : i32
    %c0_i32_1 = arith.constant 0 : i32
    return %arg0, %c0_i32, %c0_i32_0 : i32, i32, i32
  }
  func.func @transform_1(%arg0: i32) -> (i32, i32) {
    %c0_i32 = arith.constant 0 : i32
    %c0_i32_0 = arith.constant 0 : i32
    %c0_i32_1 = arith.constant 0 : i32
    return %c0_i32, %c0_i32_0 : i32, i32
  }
  func.func @transform_2(%arg0: i32) -> (i32, i32) {
    %c0_i32 = arith.constant 0 : i32
    %c0_i32_0 = arith.constant 0 : i32
    %c0_i32_1 = arith.constant 0 : i32
    return %c0_i32, %c0_i32_0 : i32, i32
  }
  func.func @transform_3(%arg0: i32) -> (i32, i32, i32) {
    %c0_i32 = arith.constant 0 : i32
    %c0_i32_0 = arith.constant 0 : i32
    %c0_i32_1 = arith.constant 0 : i32
    return %arg0, %c0_i32, %c0_i32_0 : i32, i32, i32
  }
}

module attributes {stable_mosaic.version = 14 : i64} {
  func.func @body(%arg0: i32, %arg1: memref<1x2051x64xf32, #tpu.memory_space<vmem>>, %arg2: memref<256x64xf32, #tpu.memory_space<vmem>>, %arg3: memref<1x64xf32, #tpu.memory_space<vmem>>, %arg4: memref<1x2048x64xf32, #tpu.memory_space<vmem>>) attributes {dimension_semantics = [#tpu.dimension_semantics<arbitrary>], iteration_bounds = array<i64: 2>, scalar_prefetch = 0 : i64, scratch_operands = 0 : i64, tpu.core_type = #tpu.core_type<tc>, window_params = [{transform_indices = @transform_0, window_bounds = array<i64: 1, 2051, 64>}, {pipeline_mode = #tpu.pipeline_mode<synchronous>, transform_indices = @transform_1, window_bounds = array<i64: 256, 64>}, {pipeline_mode = #tpu.pipeline_mode<synchronous>, transform_indices = @transform_2, window_bounds = array<i64: 1, 64>}, {transform_indices = @transform_3, window_bounds = array<i64: 1, 2048, 64>}]} {
    %get3A = arith.constant 0 : index
    %get3A_0 = arith.constant 0 : index
    %get3A_1 = arith.constant 0 : index
    %get3A_2 = vector.load %arg1[%get3A, %get3A_0, %get3A_1] : memref<1x2051x64xf32, #tpu.memory_space<vmem>>, vector<1x2051x64xf32>
    %get3A_3 = vector.shape_cast %get3A_2 : vector<1x2051x64xf32> to vector<2051x64xf32>
    %slice3A = vector.extract_strided_slice %get3A_3 {offsets = [0, 0], sizes = [2048, 64], strides = [1, 1]} : vector<2051x64xf32> to vector<2048x64xf32>
    %slice3A_4 = vector.extract_strided_slice %get3A_3 {offsets = [1, 0], sizes = [2048, 64], strides = [1, 1]} : vector<2051x64xf32> to vector<2048x64xf32>
    %slice3A_5 = vector.extract_strided_slice %get3A_3 {offsets = [2, 0], sizes = [2048, 64], strides = [1, 1]} : vector<2051x64xf32> to vector<2048x64xf32>
    %slice3A_6 = vector.extract_strided_slice %get3A_3 {offsets = [3, 0], sizes = [2048, 64], strides = [1, 1]} : vector<2051x64xf32> to vector<2048x64xf32>
    %concatenate3A = tpu.concatenate %slice3A, %slice3A_4, %slice3A_5, %slice3A_6 in 1 : vector<2048x64xf32>, vector<2048x64xf32>, vector<2048x64xf32>, vector<2048x64xf32> -> vector<2048x256xf32>
    %get3A_7 = arith.constant 0 : index
    %get3A_8 = arith.constant 0 : index
    %get3A_9 = vector.load %arg2[%get3A_7, %get3A_8] : memref<256x64xf32, #tpu.memory_space<vmem>>, vector<256x64xf32>
    %dot_general3A = arith.constant dense<0.000000e+00> : vector<2048x64xf32>
    %dot_general3A_10 = tpu.matmul %concatenate3A, %get3A_9, %dot_general3A {dimension_numbers = #tpu.dot_dimension_numbers<[1], [0], [0], [1], [0, 0, 1, 1], [], []>, transpose_lhs_hint = false} : vector<2048x256xf32>, vector<256x64xf32>, vector<2048x64xf32> -> vector<2048x64xf32>
    %get3A_11 = arith.constant 0 : index
    %get3A_12 = arith.constant 0 : index
    %get3A_13 = vector.load %arg3[%get3A_11, %get3A_12] : memref<1x64xf32, #tpu.memory_space<vmem>>, vector<1x64xf32>
    %add3A = vector.broadcast %get3A_13 : vector<1x64xf32> to vector<2048x64xf32>
    %add3A_14 = arith.addf %dot_general3A_10, %add3A : vector<2048x64xf32>
    %swap3A = arith.constant 0 : index
    %swap3A_15 = arith.constant 0 : index
    %swap3A_16 = arith.constant 0 : index
    %swap3A_17 = vector.load %arg4[%swap3A, %swap3A_15, %swap3A_16] : memref<1x2048x64xf32, #tpu.memory_space<vmem>>, vector<1x2048x64xf32>
    %swap3A_18 = vector.shape_cast %swap3A_17 : vector<1x2048x64xf32> to vector<2048x64xf32>
    %swap3A_19 = vector.shape_cast %add3A_14 : vector<2048x64xf32> to vector<1x2048x64xf32>
    tpu.vector_store %arg4[%swap3A, %swap3A_15, %swap3A_16], %swap3A_19 {strides = array<i32>} : memref<1x2048x64xf32, #tpu.memory_space<vmem>>, vector<1x2048x64xf32>,
    return
  }
  func.func @transform_0(%arg0: i32) -> (i32, i32, i32) {
    %c0_i32 = arith.constant 0 : i32
    %c0_i32_0 = arith.constant 0 : i32
    %c0_i32_1 = arith.constant 0 : i32
    return %arg0, %c0_i32, %c0_i32_0 : i32, i32, i32
  }
  func.func @transform_1(%arg0: i32) -> (i32, i32) {
    %c0_i32 = arith.constant 0 : i32
    %c0_i32_0 = arith.constant 0 : i32
    %c0_i32_1 = arith.constant 0 : i32
    return %c0_i32, %c0_i32_0 : i32, i32
  }
  func.func @transform_2(%arg0: i32) -> (i32, i32) {
    %c0_i32 = arith.constant 0 : i32
    %c0_i32_0 = arith.constant 0 : i32
    %c0_i32_1 = arith.constant 0 : i32
    return %c0_i32, %c0_i32_0 : i32, i32
  }
  func.func @transform_3(%arg0: i32) -> (i32, i32, i32) {
    %c0_i32 = arith.constant 0 : i32
    %c0_i32_0 = arith.constant 0 : i32
    %c0_i32_1 = arith.constant 0 : i32
    return %arg0, %c0_i32, %c0_i32_0 : i32, i32, i32
  }
}

module attributes {stable_mosaic.version = 14 : i64} {
  func.func @body(%arg0: i32, %arg1: i32, %arg2: memref<4096x64xf32, #tpu.memory_space<vmem>>, %arg3: memref<64x2048xf32, #tpu.memory_space<vmem>>, %arg4: memref<4096x1xi32, #tpu.memory_space<vmem>>, %arg5: memref<4096x1xf32, #tpu.memory_space<vmem>>, %arg6: memref<4096x1xi32, #tpu.memory_space<vmem>>) attributes {dimension_semantics = [#tpu.dimension_semantics<arbitrary>, #tpu.dimension_semantics<arbitrary>], iteration_bounds = array<i64: 1, 4>, scalar_prefetch = 0 : i64, scratch_operands = 2 : i64, tpu.core_type = #tpu.core_type<tc>, window_params = [{transform_indices = @transform_0, window_bounds = array<i64: 4096, 64>}, {transform_indices = @transform_1, window_bounds = array<i64: 64, 2048>}, {transform_indices = @transform_2, window_bounds = array<i64: 4096, 1>}]} {
    %eq3A = arith.constant 0 : i32
    %eq3A_0 = arith.cmpi eq, %arg1, %eq3A : i32
    %convert_element_type3A = arith.extui %eq3A_0 : i1 to i32
    %cond3A = arith.constant 0 : i32
    %cond3A_1 = arith.cmpi ne, %convert_element_type3A, %cond3A : i32
    scf.if %cond3A_1 {
      %broadcast_in_dim3A_225 = arith.constant 0x7F800000 : f32
      %broadcast_in_dim3A_226 = vector.broadcast %broadcast_in_dim3A_225 : f32 to vector<4096x1xf32>
      %swap3A_227 = arith.constant 0 : index
      %swap3A_228 = arith.constant 0 : index
      %swap3A_229 = vector.load %arg5[%swap3A_227, %swap3A_228] : memref<4096x1xf32, #tpu.memory_space<vmem>>, vector<4096x1xf32>
      tpu.vector_store %arg5[%swap3A_227, %swap3A_228], %broadcast_in_dim3A_226 {strides = array<i32>} : memref<4096x1xf32, #tpu.memory_space<vmem>>, vector<4096x1xf32>,
      %broadcast_in_dim3A_230 = arith.constant 0 : i32
      %broadcast_in_dim3A_231 = vector.broadcast %broadcast_in_dim3A_230 : i32 to vector<4096x1xi32>
      %swap3A_232 = arith.constant 0 : index
      %swap3A_233 = arith.constant 0 : index
      %swap3A_234 = vector.load %arg6[%swap3A_232, %swap3A_233] : memref<4096x1xi32, #tpu.memory_space<vmem>>, vector<4096x1xi32>
      tpu.vector_store %arg6[%swap3A_232, %swap3A_233], %broadcast_in_dim3A_231 {strides = array<i32>} : memref<4096x1xi32, #tpu.memory_space<vmem>>, vector<4096x1xi32>,
    } else {
    }
    %get3A = arith.constant 0 : index
    %get3A_2 = arith.constant 0 : index
    %get3A_3 = vector.load %arg2[%get3A, %get3A_2] : memref<4096x64xf32, #tpu.memory_space<vmem>>, vector<4096x64xf32>
    %get3A_4 = arith.constant 0 : index
    %get3A_5 = arith.constant 0 : index
    %get3A_6 = vector.load %arg3[%get3A_4, %get3A_5] : memref<64x2048xf32, #tpu.memory_space<vmem>>, vector<64x2048xf32>
    %mul3A = arith.mulf %get3A_3, %get3A_3 : vector<4096x64xf32>
    %reduce_sum3A = arith.constant dense<0.000000e+00> : vector<4096xf32>
    %reduce_sum3A_7 = vector.multi_reduction <add>, %mul3A, %reduce_sum3A [1] : vector<4096x64xf32> to vector<4096xf32>
    %broadcast_in_dim3A = vector.shape_cast %reduce_sum3A_7 : vector<4096xf32> to vector<4096x1xf32>
    %mul3A_8 = arith.mulf %get3A_6, %get3A_6 : vector<64x2048xf32>
    %reduce_sum3A_9 = arith.constant dense<0.000000e+00> : vector<2048xf32>
    %reduce_sum3A_10 = vector.multi_reduction <add>, %mul3A_8, %reduce_sum3A_9 [0] : vector<64x2048xf32> to vector<2048xf32>
    %broadcast_in_dim3A_11 = vector.shape_cast %reduce_sum3A_10 : vector<2048xf32> to vector<1x2048xf32>
    %mul3A_12 = arith.constant -2.000000e+00 : f32
    %mul3A_13 = vector.broadcast %mul3A_12 : f32 to vector<64x2048xf32>
    %mul3A_14 = arith.mulf %get3A_6, %mul3A_13 : vector<64x2048xf32>
    %dot_general3A = arith.constant dense<0.000000e+00> : vector<4096x2048xf32>
    %dot_general3A_15 = tpu.matmul %get3A_3, %mul3A_14, %dot_general3A {dimension_numbers = #tpu.dot_dimension_numbers<[1], [0], [0], [1], [0, 0, 1, 1], [], []>, transpose_lhs_hint = false} : vector<4096x64xf32>, vector<64x2048xf32>, vector<4096x2048xf32> -> vector<4096x2048xf32>
    %slice3A = vector.extract_strided_slice %broadcast_in_dim3A_11 {offsets = [0, 0], sizes = [1, 128], strides = [1, 1]} : vector<1x2048xf32> to vector<1x128xf32>
    %add3A = vector.broadcast %broadcast_in_dim3A : vector<4096x1xf32> to vector<4096x128xf32>
    %add3A_16 = vector.broadcast %slice3A : vector<1x128xf32> to vector<4096x128xf32>
    %add3A_17 = arith.addf %add3A, %add3A_16 : vector<4096x128xf32>
    %slice3A_18 = vector.extract_strided_slice %dot_general3A_15 {offsets = [0, 0], sizes = [4096, 128], strides = [1, 1]} : vector<4096x2048xf32> to vector<4096x128xf32>
    %add3A_19 = arith.addf %add3A_17, %slice3A_18 : vector<4096x128xf32>
    %broadcast_in_dim3A_20 = arith.constant 0.000000e+00 : f32
    %broadcast_in_dim3A_21 = vector.broadcast %broadcast_in_dim3A_20 : f32 to vector<4096x128xf32>
    %slice3A_22 = vector.extract_strided_slice %broadcast_in_dim3A_11 {offsets = [0, 128], sizes = [1, 128], strides = [1, 1]} : vector<1x2048xf32> to vector<1x128xf32>
    %add3A_23 = vector.broadcast %broadcast_in_dim3A : vector<4096x1xf32> to vector<4096x128xf32>
    %add3A_24 = vector.broadcast %slice3A_22 : vector<1x128xf32> to vector<4096x128xf32>
    %add3A_25 = arith.addf %add3A_23, %add3A_24 : vector<4096x128xf32>
    %slice3A_26 = vector.extract_strided_slice %dot_general3A_15 {offsets = [0, 128], sizes = [4096, 128], strides = [1, 1]} : vector<4096x2048xf32> to vector<4096x128xf32>
    %add3A_27 = arith.addf %add3A_25, %slice3A_26 : vector<4096x128xf32>
    %lt3A = arith.cmpf olt, %add3A_27, %add3A_19 : vector<4096x128xf32>
    %jit3A = arith.constant 1.000000e+00 : f32
    %broadcast_in_dim3A_28 = vector.broadcast %jit3A : f32 to vector<4096x128xf32>
    %select_n3A = arith.select %lt3A, %broadcast_in_dim3A_28, %broadcast_in_dim3A_21 : vector<4096x128xi1>, vector<4096x128xf32>
    %min3A = arith.minimumf %add3A_19, %add3A_27 : vector<4096x128xf32>
    %slice3A_29 = vector.extract_strided_slice %broadcast_in_dim3A_11 {offsets = [0, 256], sizes = [1, 128], strides = [1, 1]} : vector<1x2048xf32> to vector<1x128xf32>
    %add3A_30 = vector.broadcast %broadcast_in_dim3A : vector<4096x1xf32> to vector<4096x128xf32>
    %add3A_31 = vector.broadcast %slice3A_29 : vector<1x128xf32> to vector<4096x128xf32>
    %add3A_32 = arith.addf %add3A_30, %add3A_31 : vector<4096x128xf32>
    %slice3A_33 = vector.extract_strided_slice %dot_general3A_15 {offsets = [0, 256], sizes = [4096, 128], strides = [1, 1]} : vector<4096x2048xf32> to vector<4096x128xf32>
    %add3A_34 = arith.addf %add3A_32, %slice3A_33 : vector<4096x128xf32>
    %lt3A_35 = arith.cmpf olt, %add3A_34, %min3A : vector<4096x128xf32>
    %jit3A_36 = arith.constant 2.000000e+00 : f32
    %broadcast_in_dim3A_37 = vector.broadcast %jit3A_36 : f32 to vector<4096x128xf32>
    %select_n3A_38 = arith.select %lt3A_35, %broadcast_in_dim3A_37, %select_n3A : vector<4096x128xi1>, vector<4096x128xf32>
    %min3A_39 = arith.minimumf %min3A, %add3A_34 : vector<4096x128xf32>
    %slice3A_40 = vector.extract_strided_slice %broadcast_in_dim3A_11 {offsets = [0, 384], sizes = [1, 128], strides = [1, 1]} : vector<1x2048xf32> to vector<1x128xf32>
    %add3A_41 = vector.broadcast %broadcast_in_dim3A : vector<4096x1xf32> to vector<4096x128xf32>
    %add3A_42 = vector.broadcast %slice3A_40 : vector<1x128xf32> to vector<4096x128xf32>
    %add3A_43 = arith.addf %add3A_41, %add3A_42 : vector<4096x128xf32>
    %slice3A_44 = vector.extract_strided_slice %dot_general3A_15 {offsets = [0, 384], sizes = [4096, 128], strides = [1, 1]} : vector<4096x2048xf32> to vector<4096x128xf32>
    %add3A_45 = arith.addf %add3A_43, %slice3A_44 : vector<4096x128xf32>
    %lt3A_46 = arith.cmpf olt, %add3A_45, %min3A_39 : vector<4096x128xf32>
    %jit3A_47 = arith.constant 3.000000e+00 : f32
    %broadcast_in_dim3A_48 = vector.broadcast %jit3A_47 : f32 to vector<4096x128xf32>
    %select_n3A_49 = arith.select %lt3A_46, %broadcast_in_dim3A_48, %select_n3A_38 : vector<4096x128xi1>, vector<4096x128xf32>
    %min3A_50 = arith.minimumf %min3A_39, %add3A_45 : vector<4096x128xf32>
    %slice3A_51 = vector.extract_strided_slice %broadcast_in_dim3A_11 {offsets = [0, 512], sizes = [1, 128], strides = [1, 1]} : vector<1x2048xf32> to vector<1x128xf32>
    %add3A_52 = vector.broadcast %broadcast_in_dim3A : vector<4096x1xf32> to vector<4096x128xf32>
    %add3A_53 = vector.broadcast %slice3A_51 : vector<1x128xf32> to vector<4096x128xf32>
    %add3A_54 = arith.addf %add3A_52, %add3A_53 : vector<4096x128xf32>
    %slice3A_55 = vector.extract_strided_slice %dot_general3A_15 {offsets = [0, 512], sizes = [4096, 128], strides = [1, 1]} : vector<4096x2048xf32> to vector<4096x128xf32>
    %add3A_56 = arith.addf %add3A_54, %slice3A_55 : vector<4096x128xf32>
    %lt3A_57 = arith.cmpf olt, %add3A_56, %min3A_50 : vector<4096x128xf32>
    %jit3A_58 = arith.constant 4.000000e+00 : f32
    %broadcast_in_dim3A_59 = vector.broadcast %jit3A_58 : f32 to vector<4096x128xf32>
    %select_n3A_60 = arith.select %lt3A_57, %broadcast_in_dim3A_59, %select_n3A_49 : vector<4096x128xi1>, vector<4096x128xf32>
    %min3A_61 = arith.minimumf %min3A_50, %add3A_56 : vector<4096x128xf32>
    %slice3A_62 = vector.extract_strided_slice %broadcast_in_dim3A_11 {offsets = [0, 640], sizes = [1, 128], strides = [1, 1]} : vector<1x2048xf32> to vector<1x128xf32>
    %add3A_63 = vector.broadcast %broadcast_in_dim3A : vector<4096x1xf32> to vector<4096x128xf32>
    %add3A_64 = vector.broadcast %slice3A_62 : vector<1x128xf32> to vector<4096x128xf32>
    %add3A_65 = arith.addf %add3A_63, %add3A_64 : vector<4096x128xf32>
    %slice3A_66 = vector.extract_strided_slice %dot_general3A_15 {offsets = [0, 640], sizes = [4096, 128], strides = [1, 1]} : vector<4096x2048xf32> to vector<4096x128xf32>
    %add3A_67 = arith.addf %add3A_65, %slice3A_66 : vector<4096x128xf32>
    %lt3A_68 = arith.cmpf olt, %add3A_67, %min3A_61 : vector<4096x128xf32>
    %jit3A_69 = arith.constant 5.000000e+00 : f32
    %broadcast_in_dim3A_70 = vector.broadcast %jit3A_69 : f32 to vector<4096x128xf32>
    %select_n3A_71 = arith.select %lt3A_68, %broadcast_in_dim3A_70, %select_n3A_60 : vector<4096x128xi1>, vector<4096x128xf32>
    %min3A_72 = arith.minimumf %min3A_61, %add3A_67 : vector<4096x128xf32>
    %slice3A_73 = vector.extract_strided_slice %broadcast_in_dim3A_11 {offsets = [0, 768], sizes = [1, 128], strides = [1, 1]} : vector<1x2048xf32> to vector<1x128xf32>
    %add3A_74 = vector.broadcast %broadcast_in_dim3A : vector<4096x1xf32> to vector<4096x128xf32>
    %add3A_75 = vector.broadcast %slice3A_73 : vector<1x128xf32> to vector<4096x128xf32>
    %add3A_76 = arith.addf %add3A_74, %add3A_75 : vector<4096x128xf32>
    %slice3A_77 = vector.extract_strided_slice %dot_general3A_15 {offsets = [0, 768], sizes = [4096, 128], strides = [1, 1]} : vector<4096x2048xf32> to vector<4096x128xf32>
    %add3A_78 = arith.addf %add3A_76, %slice3A_77 : vector<4096x128xf32>
    %lt3A_79 = arith.cmpf olt, %add3A_78, %min3A_72 : vector<4096x128xf32>
    %jit3A_80 = arith.constant 6.000000e+00 : f32
    %broadcast_in_dim3A_81 = vector.broadcast %jit3A_80 : f32 to vector<4096x128xf32>
    %select_n3A_82 = arith.select %lt3A_79, %broadcast_in_dim3A_81, %select_n3A_71 : vector<4096x128xi1>, vector<4096x128xf32>
    %min3A_83 = arith.minimumf %min3A_72, %add3A_78 : vector<4096x128xf32>
    %slice3A_84 = vector.extract_strided_slice %broadcast_in_dim3A_11 {offsets = [0, 896], sizes = [1, 128], strides = [1, 1]} : vector<1x2048xf32> to vector<1x128xf32>
    %add3A_85 = vector.broadcast %broadcast_in_dim3A : vector<4096x1xf32> to vector<4096x128xf32>
    %add3A_86 = vector.broadcast %slice3A_84 : vector<1x128xf32> to vector<4096x128xf32>
    %add3A_87 = arith.addf %add3A_85, %add3A_86 : vector<4096x128xf32>
    %slice3A_88 = vector.extract_strided_slice %dot_general3A_15 {offsets = [0, 896], sizes = [4096, 128], strides = [1, 1]} : vector<4096x2048xf32> to vector<4096x128xf32>
    %add3A_89 = arith.addf %add3A_87, %slice3A_88 : vector<4096x128xf32>
    %lt3A_90 = arith.cmpf olt, %add3A_89, %min3A_83 : vector<4096x128xf32>
    %jit3A_91 = arith.constant 7.000000e+00 : f32
    %broadcast_in_dim3A_92 = vector.broadcast %jit3A_91 : f32 to vector<4096x128xf32>
    %select_n3A_93 = arith.select %lt3A_90, %broadcast_in_dim3A_92, %select_n3A_82 : vector<4096x128xi1>, vector<4096x128xf32>
    %min3A_94 = arith.minimumf %min3A_83, %add3A_89 : vector<4096x128xf32>
    %slice3A_95 = vector.extract_strided_slice %broadcast_in_dim3A_11 {offsets = [0, 1024], sizes = [1, 128], strides = [1, 1]} : vector<1x2048xf32> to vector<1x128xf32>
    %add3A_96 = vector.broadcast %broadcast_in_dim3A : vector<4096x1xf32> to vector<4096x128xf32>
    %add3A_97 = vector.broadcast %slice3A_95 : vector<1x128xf32> to vector<4096x128xf32>
    %add3A_98 = arith.addf %add3A_96, %add3A_97 : vector<4096x128xf32>
    %slice3A_99 = vector.extract_strided_slice %dot_general3A_15 {offsets = [0, 1024], sizes = [4096, 128], strides = [1, 1]} : vector<4096x2048xf32> to vector<4096x128xf32>
    %add3A_100 = arith.addf %add3A_98, %slice3A_99 : vector<4096x128xf32>
    %lt3A_101 = arith.cmpf olt, %add3A_100, %min3A_94 : vector<4096x128xf32>
    %jit3A_102 = arith.constant 8.000000e+00 : f32
    %broadcast_in_dim3A_103 = vector.broadcast %jit3A_102 : f32 to vector<4096x128xf32>
    %select_n3A_104 = arith.select %lt3A_101, %broadcast_in_dim3A_103, %select_n3A_93 : vector<4096x128xi1>, vector<4096x128xf32>
    %min3A_105 = arith.minimumf %min3A_94, %add3A_100 : vector<4096x128xf32>
    %slice3A_106 = vector.extract_strided_slice %broadcast_in_dim3A_11 {offsets = [0, 1152], sizes = [1, 128], strides = [1, 1]} : vector<1x2048xf32> to vector<1x128xf32>
    %add3A_107 = vector.broadcast %broadcast_in_dim3A : vector<4096x1xf32> to vector<4096x128xf32>
    %add3A_108 = vector.broadcast %slice3A_106 : vector<1x128xf32> to vector<4096x128xf32>
    %add3A_109 = arith.addf %add3A_107, %add3A_108 : vector<4096x128xf32>
    %slice3A_110 = vector.extract_strided_slice %dot_general3A_15 {offsets = [0, 1152], sizes = [4096, 128], strides = [1, 1]} : vector<4096x2048xf32> to vector<4096x128xf32>
    %add3A_111 = arith.addf %add3A_109, %slice3A_110 : vector<4096x128xf32>
    %lt3A_112 = arith.cmpf olt, %add3A_111, %min3A_105 : vector<4096x128xf32>
    %jit3A_113 = arith.constant 9.000000e+00 : f32
    %broadcast_in_dim3A_114 = vector.broadcast %jit3A_113 : f32 to vector<4096x128xf32>
    %select_n3A_115 = arith.select %lt3A_112, %broadcast_in_dim3A_114, %select_n3A_104 : vector<4096x128xi1>, vector<4096x128xf32>
    %min3A_116 = arith.minimumf %min3A_105, %add3A_111 : vector<4096x128xf32>
    %slice3A_117 = vector.extract_strided_slice %broadcast_in_dim3A_11 {offsets = [0, 1280], sizes = [1, 128], strides = [1, 1]} : vector<1x2048xf32> to vector<1x128xf32>
    %add3A_118 = vector.broadcast %broadcast_in_dim3A : vector<4096x1xf32> to vector<4096x128xf32>
    %add3A_119 = vector.broadcast %slice3A_117 : vector<1x128xf32> to vector<4096x128xf32>
    %add3A_120 = arith.addf %add3A_118, %add3A_119 : vector<4096x128xf32>
    %slice3A_121 = vector.extract_strided_slice %dot_general3A_15 {offsets = [0, 1280], sizes = [4096, 128], strides = [1, 1]} : vector<4096x2048xf32> to vector<4096x128xf32>
    %add3A_122 = arith.addf %add3A_120, %slice3A_121 : vector<4096x128xf32>
    %lt3A_123 = arith.cmpf olt, %add3A_122, %min3A_116 : vector<4096x128xf32>
    %jit3A_124 = arith.constant 1.000000e+01 : f32
    %broadcast_in_dim3A_125 = vector.broadcast %jit3A_124 : f32 to vector<4096x128xf32>
    %select_n3A_126 = arith.select %lt3A_123, %broadcast_in_dim3A_125, %select_n3A_115 : vector<4096x128xi1>, vector<4096x128xf32>
    %min3A_127 = arith.minimumf %min3A_116, %add3A_122 : vector<4096x128xf32>
    %slice3A_128 = vector.extract_strided_slice %broadcast_in_dim3A_11 {offsets = [0, 1408], sizes = [1, 128], strides = [1, 1]} : vector<1x2048xf32> to vector<1x128xf32>
    %add3A_129 = vector.broadcast %broadcast_in_dim3A : vector<4096x1xf32> to vector<4096x128xf32>
    %add3A_130 = vector.broadcast %slice3A_128 : vector<1x128xf32> to vector<4096x128xf32>
    %add3A_131 = arith.addf %add3A_129, %add3A_130 : vector<4096x128xf32>
    %slice3A_132 = vector.extract_strided_slice %dot_general3A_15 {offsets = [0, 1408], sizes = [4096, 128], strides = [1, 1]} : vector<4096x2048xf32> to vector<4096x128xf32>
    %add3A_133 = arith.addf %add3A_131, %slice3A_132 : vector<4096x128xf32>
    %lt3A_134 = arith.cmpf olt, %add3A_133, %min3A_127 : vector<4096x128xf32>
    %jit3A_135 = arith.constant 1.100000e+01 : f32
    %broadcast_in_dim3A_136 = vector.broadcast %jit3A_135 : f32 to vector<4096x128xf32>
    %select_n3A_137 = arith.select %lt3A_134, %broadcast_in_dim3A_136, %select_n3A_126 : vector<4096x128xi1>, vector<4096x128xf32>
    %min3A_138 = arith.minimumf %min3A_127, %add3A_133 : vector<4096x128xf32>
    %slice3A_139 = vector.extract_strided_slice %broadcast_in_dim3A_11 {offsets = [0, 1536], sizes = [1, 128], strides = [1, 1]} : vector<1x2048xf32> to vector<1x128xf32>
    %add3A_140 = vector.broadcast %broadcast_in_dim3A : vector<4096x1xf32> to vector<4096x128xf32>
    %add3A_141 = vector.broadcast %slice3A_139 : vector<1x128xf32> to vector<4096x128xf32>
    %add3A_142 = arith.addf %add3A_140, %add3A_141 : vector<4096x128xf32>
    %slice3A_143 = vector.extract_strided_slice %dot_general3A_15 {offsets = [0, 1536], sizes = [4096, 128], strides = [1, 1]} : vector<4096x2048xf32> to vector<4096x128xf32>
    %add3A_144 = arith.addf %add3A_142, %slice3A_143 : vector<4096x128xf32>
    %lt3A_145 = arith.cmpf olt, %add3A_144, %min3A_138 : vector<4096x128xf32>
    %jit3A_146 = arith.constant 1.200000e+01 : f32
    %broadcast_in_dim3A_147 = vector.broadcast %jit3A_146 : f32 to vector<4096x128xf32>
    %select_n3A_148 = arith.select %lt3A_145, %broadcast_in_dim3A_147, %select_n3A_137 : vector<4096x128xi1>, vector<4096x128xf32>
    %min3A_149 = arith.minimumf %min3A_138, %add3A_144 : vector<4096x128xf32>
    %slice3A_150 = vector.extract_strided_slice %broadcast_in_dim3A_11 {offsets = [0, 1664], sizes = [1, 128], strides = [1, 1]} : vector<1x2048xf32> to vector<1x128xf32>
    %add3A_151 = vector.broadcast %broadcast_in_dim3A : vector<4096x1xf32> to vector<4096x128xf32>
    %add3A_152 = vector.broadcast %slice3A_150 : vector<1x128xf32> to vector<4096x128xf32>
    %add3A_153 = arith.addf %add3A_151, %add3A_152 : vector<4096x128xf32>
    %slice3A_154 = vector.extract_strided_slice %dot_general3A_15 {offsets = [0, 1664], sizes = [4096, 128], strides = [1, 1]} : vector<4096x2048xf32> to vector<4096x128xf32>
    %add3A_155 = arith.addf %add3A_153, %slice3A_154 : vector<4096x128xf32>
    %lt3A_156 = arith.cmpf olt, %add3A_155, %min3A_149 : vector<4096x128xf32>
    %jit3A_157 = arith.constant 1.300000e+01 : f32
    %broadcast_in_dim3A_158 = vector.broadcast %jit3A_157 : f32 to vector<4096x128xf32>
    %select_n3A_159 = arith.select %lt3A_156, %broadcast_in_dim3A_158, %select_n3A_148 : vector<4096x128xi1>, vector<4096x128xf32>
    %min3A_160 = arith.minimumf %min3A_149, %add3A_155 : vector<4096x128xf32>
    %slice3A_161 = vector.extract_strided_slice %broadcast_in_dim3A_11 {offsets = [0, 1792], sizes = [1, 128], strides = [1, 1]} : vector<1x2048xf32> to vector<1x128xf32>
    %add3A_162 = vector.broadcast %broadcast_in_dim3A : vector<4096x1xf32> to vector<4096x128xf32>
    %add3A_163 = vector.broadcast %slice3A_161 : vector<1x128xf32> to vector<4096x128xf32>
    %add3A_164 = arith.addf %add3A_162, %add3A_163 : vector<4096x128xf32>
    %slice3A_165 = vector.extract_strided_slice %dot_general3A_15 {offsets = [0, 1792], sizes = [4096, 128], strides = [1, 1]} : vector<4096x2048xf32> to vector<4096x128xf32>
    %add3A_166 = arith.addf %add3A_164, %slice3A_165 : vector<4096x128xf32>
    %lt3A_167 = arith.cmpf olt, %add3A_166, %min3A_160 : vector<4096x128xf32>
    %jit3A_168 = arith.constant 1.400000e+01 : f32
    %broadcast_in_dim3A_169 = vector.broadcast %jit3A_168 : f32 to vector<4096x128xf32>
    %select_n3A_170 = arith.select %lt3A_167, %broadcast_in_dim3A_169, %select_n3A_159 : vector<4096x128xi1>, vector<4096x128xf32>
    %min3A_171 = arith.minimumf %min3A_160, %add3A_166 : vector<4096x128xf32>
    %slice3A_172 = vector.extract_strided_slice %broadcast_in_dim3A_11 {offsets = [0, 1920], sizes = [1, 128], strides = [1, 1]} : vector<1x2048xf32> to vector<1x128xf32>
    %add3A_173 = vector.broadcast %broadcast_in_dim3A : vector<4096x1xf32> to vector<4096x128xf32>
    %add3A_174 = vector.broadcast %slice3A_172 : vector<1x128xf32> to vector<4096x128xf32>
    %add3A_175 = arith.addf %add3A_173, %add3A_174 : vector<4096x128xf32>
    %slice3A_176 = vector.extract_strided_slice %dot_general3A_15 {offsets = [0, 1920], sizes = [4096, 128], strides = [1, 1]} : vector<4096x2048xf32> to vector<4096x128xf32>
    %add3A_177 = arith.addf %add3A_175, %slice3A_176 : vector<4096x128xf32>
    %lt3A_178 = arith.cmpf olt, %add3A_177, %min3A_171 : vector<4096x128xf32>
    %jit3A_179 = arith.constant 1.500000e+01 : f32
    %broadcast_in_dim3A_180 = vector.broadcast %jit3A_179 : f32 to vector<4096x128xf32>
    %select_n3A_181 = arith.select %lt3A_178, %broadcast_in_dim3A_180, %select_n3A_170 : vector<4096x128xi1>, vector<4096x128xf32>
    %min3A_182 = arith.minimumf %min3A_171, %add3A_177 : vector<4096x128xf32>
    %reduce_min3A = arith.constant dense<0x7F800000> : vector<4096xf32>
    %reduce_min3A_183 = vector.multi_reduction <minimumf>, %min3A_182, %reduce_min3A [1] : vector<4096x128xf32> to vector<4096xf32>
    %broadcast_in_dim3A_184 = vector.shape_cast %reduce_min3A_183 : vector<4096xf32> to vector<4096x1xf32>
    %iota3A = tpu.iota {dimensions = array<i32: 1>} : vector<4096x128xi32>
    %convert_element_type3A_185 = arith.sitofp %iota3A : vector<4096x128xi32> to vector<4096x128xf32>
    %mul3A_186 = arith.constant 1.280000e+02 : f32
    %mul3A_187 = vector.broadcast %mul3A_186 : f32 to vector<4096x128xf32>
    %mul3A_188 = arith.mulf %select_n3A_181, %mul3A_187 : vector<4096x128xf32>
    %add3A_189 = arith.addf %mul3A_188, %convert_element_type3A_185 : vector<4096x128xf32>
    %eq3A_190 = vector.broadcast %broadcast_in_dim3A_184 : vector<4096x1xf32> to vector<4096x128xf32>
    %eq3A_191 = arith.cmpf oeq, %min3A_182, %eq3A_190 : vector<4096x128xf32>
    %jit3A_192 = arith.constant 2.048000e+03 : f32
    %broadcast_in_dim3A_193 = vector.broadcast %jit3A_192 : f32 to vector<4096x128xf32>
    %select_n3A_194 = arith.select %eq3A_191, %add3A_189, %broadcast_in_dim3A_193 : vector<4096x128xi1>, vector<4096x128xf32>
    %reduce_min3A_195 = arith.constant dense<0x7F800000> : vector<4096xf32>
    %reduce_min3A_196 = vector.multi_reduction <minimumf>, %select_n3A_194, %reduce_min3A_195 [1] : vector<4096x128xf32> to vector<4096xf32>
    %broadcast_in_dim3A_197 = vector.shape_cast %reduce_min3A_196 : vector<4096xf32> to vector<4096x1xf32>
    %convert_element_type3A_198 = arith.fptosi %broadcast_in_dim3A_197 : vector<4096x1xf32> to vector<4096x1xi32>
    %mul3A_199 = arith.constant 2048 : i32
    %mul3A_200 = arith.muli %arg1, %mul3A_199 : i32
    %add3A_201 = vector.broadcast %mul3A_200 : i32 to vector<4096x1xi32>
    %add3A_202 = arith.addi %convert_element_type3A_198, %add3A_201 : vector<4096x1xi32>
    %get3A_203 = arith.constant 0 : index
    %get3A_204 = arith.constant 0 : index
    %get3A_205 = vector.load %arg5[%get3A_203, %get3A_204] : memref<4096x1xf32, #tpu.memory_space<vmem>>, vector<4096x1xf32>
    %lt3A_206 = arith.cmpf olt, %broadcast_in_dim3A_184, %get3A_205 : vector<4096x1xf32>
    %get3A_207 = arith.constant 0 : index
    %get3A_208 = arith.constant 0 : index
    %get3A_209 = vector.load %arg6[%get3A_207, %get3A_208] : memref<4096x1xi32, #tpu.memory_space<vmem>>, vector<4096x1xi32>
    %select_n3A_210 = arith.select %lt3A_206, %add3A_202, %get3A_209 : vector<4096x1xi1>, vector<4096x1xi32>
    %swap3A = arith.constant 0 : index
    %swap3A_211 = arith.constant 0 : index
    %swap3A_212 = vector.load %arg6[%swap3A, %swap3A_211] : memref<4096x1xi32, #tpu.memory_space<vmem>>, vector<4096x1xi32>
    tpu.vector_store %arg6[%swap3A, %swap3A_211], %select_n3A_210 {strides = array<i32>} : memref<4096x1xi32, #tpu.memory_space<vmem>>, vector<4096x1xi32>,
    %get3A_213 = arith.constant 0 : index
    %get3A_214 = arith.constant 0 : index
    %get3A_215 = vector.load %arg5[%get3A_213, %get3A_214] : memref<4096x1xf32, #tpu.memory_space<vmem>>, vector<4096x1xf32>
    %select_n3A_216 = arith.select %lt3A_206, %broadcast_in_dim3A_184, %get3A_215 : vector<4096x1xi1>, vector<4096x1xf32>
    %swap3A_217 = arith.constant 0 : index
    %swap3A_218 = arith.constant 0 : index
    %swap3A_219 = vector.load %arg5[%swap3A_217, %swap3A_218] : memref<4096x1xf32, #tpu.memory_space<vmem>>, vector<4096x1xf32>
    tpu.vector_store %arg5[%swap3A_217, %swap3A_218], %select_n3A_216 {strides = array<i32>} : memref<4096x1xf32, #tpu.memory_space<vmem>>, vector<4096x1xf32>,
    %eq3A_220 = arith.constant 3 : i32
    %eq3A_221 = arith.cmpi eq, %arg1, %eq3A_220 : i32
    %convert_element_type3A_222 = arith.extui %eq3A_221 : i1 to i32
    %cond3A_223 = arith.constant 0 : i32
    %cond3A_224 = arith.cmpi ne, %convert_element_type3A_222, %cond3A_223 : i32
    scf.if %cond3A_224 {
      %get3A_225 = arith.constant 0 : index
      %get3A_226 = arith.constant 0 : index
      %get3A_227 = vector.load %arg6[%get3A_225, %get3A_226] : memref<4096x1xi32, #tpu.memory_space<vmem>>, vector<4096x1xi32>
      %swap3A_228 = arith.constant 0 : index
      %swap3A_229 = arith.constant 0 : index
      %swap3A_230 = vector.load %arg4[%swap3A_228, %swap3A_229] : memref<4096x1xi32, #tpu.memory_space<vmem>>, vector<4096x1xi32>
      tpu.vector_store %arg4[%swap3A_228, %swap3A_229], %get3A_227 {strides = array<i32>} : memref<4096x1xi32, #tpu.memory_space<vmem>>, vector<4096x1xi32>,
    } else {
    }
    return
  }
  func.func @transform_0(%arg0: i32, %arg1: i32) -> (i32, i32) {
    %c0_i32 = arith.constant 0 : i32
    %c0_i32_0 = arith.constant 0 : i32
    return %arg0, %c0_i32 : i32, i32
  }
  func.func @transform_1(%arg0: i32, %arg1: i32) -> (i32, i32) {
    %c0_i32 = arith.constant 0 : i32
    %c0_i32_0 = arith.constant 0 : i32
    return %c0_i32, %arg1 : i32, i32
  }
  func.func @transform_2(%arg0: i32, %arg1: i32) -> (i32, i32) {
    %c0_i32 = arith.constant 0 : i32
    %c0_i32_0 = arith.constant 0 : i32
    return %arg0, %c0_i32 : i32, i32
  }
}

module attributes {stable_mosaic.version = 14 : i64} {
  func.func @body(%arg0: memref<4096x128xf32, #tpu.memory_space<vmem>>, %arg1: memref<4096x128xf32, #tpu.memory_space<vmem>>, %arg2: memref<4096x128xf32, #tpu.memory_space<vmem>>, %arg3: memref<4096x128xf32, #tpu.memory_space<vmem>>, %arg4: memref<4096x64xf32, #tpu.memory_space<vmem>>) attributes {dimension_semantics = [], scalar_prefetch = 0 : i64, scratch_operands = 0 : i64, tpu.core_type = #tpu.core_type<tc>} {
    %get3A = arith.constant 0 : index
    %get3A_0 = arith.constant 0 : index
    %get3A_1 = vector.load %arg0[%get3A, %get3A_0] : memref<4096x128xf32, #tpu.memory_space<vmem>>, vector<4096x128xf32>
    %get3A_2 = arith.constant 0 : index
    %get3A_3 = arith.constant 0 : index
    %get3A_4 = vector.load %arg1[%get3A_2, %get3A_3] : memref<4096x128xf32, #tpu.memory_space<vmem>>, vector<4096x128xf32>
    %add3A = arith.addf %get3A_1, %get3A_4 : vector<4096x128xf32>
    %get3A_5 = arith.constant 0 : index
    %get3A_6 = arith.constant 0 : index
    %get3A_7 = vector.load %arg2[%get3A_5, %get3A_6] : memref<4096x128xf32, #tpu.memory_space<vmem>>, vector<4096x128xf32>
    %add3A_8 = arith.addf %add3A, %get3A_7 : vector<4096x128xf32>
    %get3A_9 = arith.constant 0 : index
    %get3A_10 = arith.constant 0 : index
    %get3A_11 = vector.load %arg3[%get3A_9, %get3A_10] : memref<4096x128xf32, #tpu.memory_space<vmem>>, vector<4096x128xf32>
    %add3A_12 = arith.addf %add3A_8, %get3A_11 : vector<4096x128xf32>
    %slice3A = vector.extract_strided_slice %add3A_12 {offsets = [0, 0], sizes = [4096, 64], strides = [1, 1]} : vector<4096x128xf32> to vector<4096x64xf32>
    %mul3A = arith.constant 2.500000e-01 : f32
    %mul3A_13 = vector.broadcast %mul3A : f32 to vector<4096x64xf32>
    %mul3A_14 = arith.mulf %slice3A, %mul3A_13 : vector<4096x64xf32>
    %swap3A = arith.constant 0 : index
    %swap3A_15 = arith.constant 0 : index
    %swap3A_16 = vector.load %arg4[%swap3A, %swap3A_15] : memref<4096x64xf32, #tpu.memory_space<vmem>>, vector<4096x64xf32>
    tpu.vector_store %arg4[%swap3A, %swap3A_15], %mul3A_14 {strides = array<i32>} : memref<4096x64xf32, #tpu.memory_space<vmem>>, vector<4096x64xf32>,
    return
  }
}

</mosaic_0001>

<sc_bundles>
// kernel: kernel.14.cloned.1.call-start
scs
__scs_entry_jumppad:
0x0: {  	(pc) =	sbr.rel $0x88, $3  }
0x1: {  	(tag) =	ssettag $0x0;
	lr =	simm.s32 $0x1  }
0x2: {  	[smem:$0x3F98] =	sst lr;
	_ =	strace $0xD0000000  }
0x3: {  	_ = 	snop  }
0x4: {  	_ = 	snop  }
0x5: {  	_ = 	snop  }
0x6: {  	_ = 	snop  }
0x7: {  	_ = 	snop  }
__scs_overlays_trampoline_lowered:
0x8: {  	[smem:$0x3FA7] =	sst s0  }
0x9: {  	[smem:$0x3FA8] =	sst s1  }
0xa: {  	[smem:$0x3FA9] =	sst s2  }
0xb: {  	[smem:$0x3FAA] =	sst s3  }
0xc: {  	[smem:$0x3FAB] =	sst s4  }
0xd: {  	[smem:$0x3FAC] =	sst s5  }
0xe: {  	[smem:$0x3FAD] =	sst s6  }
0xf: {  	[smem:$0x3FAE] =	sst s7  }
0x10: {  	[smem:$0x3FAF] =	sst s8  }
0x11: {  	[smem:$0x3FB0] =	sst s9;
	s0 =	simm.s32 @!p0 $0x0  }
0x12: {  	s1 =	sld [smem:$0x3F96];
	s0 =	simm.s32 @p0 $0x1  }
0x13: {  	[smem:$0x3FB1] =	sst s0;
	s0 =	simm.s32 @!p1 $0x0  }
0x14: {  	s2 =	sld [smem:$0x3F95];
	s0 =	simm.s32 @p1 $0x1  }
0x15: {  	[smem:$0x3FB2] =	sst s0;
	s0 =	simm.s32 @!p2 $0x0  }
0x16: {  	s3 =	sld [smem:$0x3FDB];
	s0 =	simm.s32 @p2 $0x1  }
0x17: {  	s4 =	simm.s32 $0x1BF5;
	[smem:$0x3FB4] =	sst s0  }
0x18: {  	s0 =	sld [smem:$0x3F97];
	_ =	swait.ge [sflag:s4], $0x0  }
0x19: {  	s7 =	sld [smem:$0x3F98]  }
0x1a: {  	s8 =	sadd.s32 $0xFFFFE003, lr  }
0x1b: {  	s9 =	sadd.s32 $0xFFFFFEF7, lr;
	s5 =	simm.s32 $0xFFFFFFFF;
	p2 =	slt.u32 s8, $0xFFFFF086  }
0x1c: {  	p1 =	slt.u32 s9, $0xF7A;
	s5 =	simm.s32 @!p2 $0x0  }
0x1d: {  	s5 =	simm.s32 @p1 $0x1;
	p0 =	seq.s32 s7, s2  }
0x1e: {  	s7 =	smul.u32 @!p0 $0xF7A, s2;
	p2 =	seq.s32 @!p0 s5, $0x0  }
0x1f: {  	s9 =	smul.u32 $0xF7A, s1;
	s8 =	simm.s32 @!p0 $0x1BF5;
	p2 =	por !p2, p0  }
0x20: {  	[sflag:s8] =	ssyncset.s32 @!p0 $0xFFFFF086;
	s6 =	sadd.s32 @!p0 s3, s7;
	s7 =	simm.s32 @!p0 $0x108  }
0x21: {  	s3 =	sadd.s32 s3, s9;
	s6 =	sadd.s32 @!p0 $0x88, s6;
	s7 =	simm.s32 @p2 $0x1082  }
0x22: {  	[simem:s7], [sflag:s8] =	dma.local @!p0 [hbm:s6], $0xF7A  }
0x23: {  	s9 =	sor.u32 $0xD0000000, s2;
	s6 =	simm.s32 $0x108;
	_ =	swait.ge @!p0 [sflag:s8], $0x0  }
0x24: {  	s3 =	sadd.s32 $0x88, s3;
	s6 =	simm.s32 @!p1 $0x1082;
	[sflag:s4] =	ssyncset.s32 $0xFFFFF086  }
0x25: {  	[simem:s6], [sflag:s4] =	dma.local [hbm:s3], $0xF7A  }
0x26: {  	[smem:$0x3F98] =	sst s1;
	(tag) =	ssettag s2;
	_ =	strace s9  }
0x27: {  	s1 =	sld [smem:$0x3FA8]  }
0x28: {  	s2 =	sld [smem:$0x3FA9]  }
0x29: {  	s4 =	sld [smem:$0x3FAB]  }
0x2a: {  	p0 =	seq.s32 s5, $0x0;
	s5 =	sld [smem:$0x3FAC]  }
0x2b: {  	s6 =	sld [smem:$0x3FAD]  }
0x2c: {  	s7 =	sld [smem:$0x3FAE]  }
0x2d: {  	s3 =	simm.s32 $0x108;
	s8 =	sld [smem:$0x3FAF]  }
0x2e: {  	s3 =	simm.s32 @!p0 $0x1082;
	s9 =	sld [smem:$0x3FB0]  }
0x2f: {  	lr =	sadd.s32 s0, s3;
	s0 =	sld [smem:$0x3FA7]  }
0x30: {  	s3 =	sld [smem:$0x3FAA]  }
0x31: {  	[smem:$0x3FB3] =	sst s10  }
0x32: {  	s10 =	sld [smem:$0x3FB1];
	_ =	sdelay $0x3  }
0x33: {  	p0 =	seq.s32 s10, $0x1;
	s10 =	sld [smem:$0x3FB3];
	_ =	sdelay $0x3  }
0x34: {  	[smem:$0x3FB3] =	sst s10  }
0x35: {  	s10 =	sld [smem:$0x3FB2];
	_ =	sdelay $0x3  }
0x36: {  	p1 =	seq.s32 s10, $0x1;
	s10 =	sld [smem:$0x3FB3];
	_ =	sdelay $0x3  }
0x37: {  	[smem:$0x3FB3] =	sst s10  }
0x38: {  	s10 =	sld [smem:$0x3FB4]  }
0x39: {  	_ = 	snop;
	(pc) =	sbr.ind lr, $3  }
0x3a: {  	_ = 	snop  }
0x3b: {  	_ = 	snop  }
0x3c: {  	p2 =	seq.s32 s10, $0x1;
	s10 =	sld [smem:$0x3FB3]  }
0x3d: {  	_ =	shalt  }
0x3e: {  	_ =	shalt  }
0x3f: {  	_ =	shalt  }
0x40: {  	_ =	shalt  }
0x41: {  	_ =	shalt  }
0x42: {  	_ =	shalt  }
0x43: {  	_ =	shalt  }
0x44: {  	_ =	shalt  }
0x45: {  	_ =	shalt  }
0x46: {  	_ =	shalt  }
0x47: {  	_ =	shalt  }
0x48: {  	_ =	shalt  }
0x49: {  	_ =	shalt  }
0x4a: {  	_ =	shalt  }
0x4b: {  	_ =	shalt  }
0x4c: {  	_ =	shalt  }
0x4d: {  	_ =	shalt  }
0x4e: {  	_ =	shalt  }
0x4f: {  	_ =	shalt  }
0x50: {  	_ =	shalt  }
0x51: {  	_ =	shalt  }
0x52: {  	_ =	shalt  }
0x53: {  	_ =	shalt  }
0x54: {  	_ =	shalt  }
0x55: {  	_ =	shalt  }
0x56: {  	_ =	shalt  }
0x57: {  	_ =	shalt  }
0x58: {  	_ =	shalt  }
0x59: {  	_ =	shalt  }
0x5a: {  	_ =	shalt  }
0x5b: {  	_ =	shalt  }
0x5c: {  	_ =	shalt  }
0x5d: {  	_ =	shalt  }
0x5e: {  	_ =	shalt  }
0x5f: {  	_ =	shalt  }
0x60: {  	_ =	shalt  }
0x61: {  	_ =	shalt  }
0x62: {  	_ =	shalt  }
0x63: {  	_ =	shalt  }
0x64: {  	_ =	shalt  }
0x65: {  	_ =	shalt  }
0x66: {  	_ =	shalt  }
0x67: {  	_ =	shalt  }
0x68: {  	_ =	shalt  }
0x69: {  	_ =	shalt  }
0x6a: {  	_ =	shalt  }
0x6b: {  	_ =	shalt  }
0x6c: {  	_ =	shalt  }
0x6d: {  	_ =	shalt  }
0x6e: {  	_ =	shalt  }
0x6f: {  	_ =	shalt  }
0x70: {  	_ =	shalt  }
0x71: {  	_ =	shalt  }
0x72: {  	_ =	shalt  }
0x73: {  	_ =	shalt  }
0x74: {  	_ =	shalt  }
0x75: {  	_ =	shalt  }
0x76: {  	_ =	shalt  }
0x77: {  	_ =	shalt  }
0x78: {  	_ =	shalt  }
0x79: {  	_ =	shalt  }
0x7a: {  	_ =	shalt  }
0x7b: {  	_ =	shalt  }
0x7c: {  	_ =	shalt  }
0x7d: {  	_ =	shalt  }
0x7e: {  	_ =	shalt  }
0x7f: {  	_ =	shalt  }
0x80: {  	_ =	shalt  }
0x81: {  	_ =	shalt  }
0x82: {  	_ =	shalt  }
0x83: {  	_ =	shalt  }
0x84: {  	_ =	shalt  }
0x85: {  	_ =	shalt  }
0x86: {  	_ =	shalt  }
0x87: {  	_ =	shalt  }
.Lfunc_end0:
.L_simem_size_0:
called_computation_lowered:
.L_overlay_start_0:
0x88: {  	s2 =	sld [smem:$0x3FD9]  }
0x89: {  	s3 =	sld [smem:$0x3FFE];
	_ =	sdelay $0x1  }
0x8a: {  	s1 =	srdreg.scid  }
0x8b: {  	s0 =	sand.u32 $0x1, s1  }
0x8c: {  	s16 =	sshll.u32 s0, $0xA;
	s2 =	sadd.s32 s3, s2  }
0x8d: {  	s2 =	sadd.s32 s2, s16  }
0x8e: {  	[smem:$0x3FBF] =	sst s2  }
0x8f: {  	_ = 	snop  }
0x90: {  	(tm) =	ssettm $0x1  }
0x91: {  	s17 =	sld [smem:$0x3FFB];
	_ =	sdelay $0x3  }
0x92: {  	_ =	strace s17  }
0x93: {  	s2 =	sld [smem:$0x3FFC];
	_ =	sdelay $0x3  }
0x94: {  	_ =	strace s2  }
0x95: {  	s2 =	sld [smem:$0x3FFD];
	_ =	sdelay $0x3  }
0x96: {  	_ =	strace s2  }
0x97: {  	_ =	strace $0x8FFFFFFF  }
0x98: {  	s18 =	sld [smem:$0x3FDB];
	_ =	sdelay $0x1  }
0x99: {  	s19 =	simm.s32 $_scs_section_size  }
0x9a: {  	s4 =	simm.s32 $_size__tile_overlayer_lowered;
	s5 =	simm.s32 $_tile_overlayer_lowered  }
0x9b: {  	s22 =	simm.s32 $0x1BFF;
	s21 =	sshll.u32 s5, $0x1;
	s2 =	sadd.s32 s19, s18  }
0x9c: {  	s6 =	simm.s32 $0x0;
	s20 =	sshll.u32 s4, $0x1;
	s4 =	sadd.s32 s21, s2  }
0x9d: {  	[timem:s6], [sflag:s22] =	dma.local [hbm:s4], s20  }
0x9e: {  	_ =	swait.ge [sflag:s22], s20  }
0x9f: {  	s3 =	ssub.s32 $0x0, s20;
	[sflag:s22] =	ssyncset.done $0x0  }
0xa0: {  	[sflag:s22] =	ssyncadd.s32 s3;
	_ =	sdelay $0x1  }
0xa1: {  	s23 =	simm.s32 $0x1B8B  }
0xa2: {  	_ =	swait.ge [sflag:s23], $0x1  }
0xa3: {  	[sflag:s23] =	ssyncset.done $0x0  }
0xa4: {  	s25 =	simm.s32 $0x1B8E;
	s24 =	sld [smem:$0x3FFE];
	[sflag:s23] =	ssyncadd.s32 $0xFFFFFFFF  }
0xa5: {  	s26 =	simm.s32 $execute0_lowered;
	[smem:$0x3FD2] =	sst s25  }
0xa6: {  	s4 =	sshll.u32 s26, $0x1;
	_ =	strace $0x80000046;
	[dreg:$0x1] =	wrdreg $0xFFFFFFFF  }
0xa7: {  	s28 =	simm.s32 $_size_execute0_lowered;
	s2 =	sadd.s32 s2, s4;
	[dreg:$0x0] =	wrdreg $0x0  }
0xa8: {  	s4 =	sshll.u32 s28, $0x1;
	[dreg:$0x2] =	wrdreg s2  }
0xa9: {  	[dreg:$0x3] =	wrdreg s4  }
0xaa: {  	[dreg:$0x4] =	wrdreg $0xC0  }
0xab: {  	_ =	task [dreg:s6], $0x5FFFF  }
0xac: {  	[dreg:$0x1] =	wrdreg $0xFFFFFFFF  }
0xad: {  	[dreg:$0x0] =	wrdreg $0x60  }
0xae: {  	[dreg:$0x2] =	wrdreg s24  }
0xaf: {  	[dreg:$0x3] =	wrdreg $0x40800  }
0xb0: {  	[dreg:$0x4] =	wrdreg $0x9  }
0xb1: {  	_ =	task.clear_ibuf [dreg:s6], $0x5FFFF;
	_ =	strace $0x90000046  }
0xb2: {  	s29 =	simm.s32 $0x9;
	_ =	strace $0x80000048  }
0xb3: {  	_ =	swait.ge [sflag:s29], $0x1  }
0xb4: {  	[sflag:s29] =	ssyncadd.s32 $0xFFFFFFFF  }
0xb5: {  	_ =	strace $0x90000048  }
0xb6: {  	_ =	sfence  }
0xb7: {  	s30 =	sld [smem:$0x0];
	_ =	sdelay $0x2  }
0xb8: {  	s31 =	sshll.u32 s1, $0xD;
	s1 =	sshrl.u32 s1, $0x2  }
0xb9: {  	s3 =	sand.u32 $0x4000, s31;
	s1 =	sadd.s32 s1, s30  }
0xba: {  	s0 =	sor.u32 s3, s0;
	s1 =	sshll.u32 s1, $0x11  }
0xbb: {  	s0 =	sor.u32 s1, s0  }
0xbc: {  	s0 =	sadd.s32 $0x8F2B, s0  }
0xbd: {  	[sflag:s0] =	ssyncadd.remote.s32 $0x1  }
0xbe: {  	_ =	sfence.sel $0xFFFF  }
0xbf: {  	[dreg:$0x0] =	wrdreg $0xFFFFFFFF;
	(pc) =	sbr.abs _section_cstart, $3  }
0xc0: {  	[dreg:$0x1] =	wrdreg $0xFFFFFFFF  }
0xc1: {  	_ =	task.clear_ibuf [dreg:s6], $0x2FFFF;
	_ =	strace $0x9FFFFFFF  }
0xc2: {  	(tm) =	ssettm $0x7FFFFFFF  }
0xc3: {  	_ =	shalt  }
tec
execute0_lowered:
.L_overlay_start_1:
0x0: {  	(tag) =	ssettag $0x1  }
0x1: {  	s11 =	rddreg [dreg:$0x0]  }
0x2: {  	s1 =	rddreg [dreg:$0x1]  }
0x3: {  	s0 =	rddreg [dreg:$0x2]  }
0x4: {  	s3 =	simm.s32 $0x0;
	s4 =	srdreg.scid;
	s2 =	stileid.u32  }
0x5: {  	[smem:$0x7FF] =	sst s3;
	s9 =	sand.u32 $0x1, s4;
	s25 =	sshll.u32 s2, $0x8  }
0x6: {  	s6 =	sshll.u32 s2, $0xD;
	s28 =	sshll.u32 s2, $0x10;
	s30 =	sshll.u32 s2, $0x6  }
0x7: {  	_ =	strace $0x80000047;
	s5 =	sshll.u32 s9, $0x7;
	s26 =	sadd.s32 s6, s11  }
0x8: {  	s29 =	sadd.s32 s28, s1;
	s6 =	simm.s32 $0x2;
	s12 =	sor.u32 s5, s25  }
0x9: {  	s4 =	sadd.s32 $0x1C00, s26;
	s5 =	sor.u32 $0x1C02, s30;
	s7 =	sshrl.u32 s29, $0x3  }
0xa: {  	[spmem:s7], [sflag:s5] =	dma.local [hbm:s4], $0x2000  }
0xb: {  	s8 =	sshrl.u32 s12, $0x3;
	_ =	swait.ge [sflag:s6], $0x2000  }
0xc: {  	s8 =	sadd.s32 s8, s11;
	[sflag:s6] =	ssyncset.done $0x0  }
0xd: {  	s8 =	sadd.s32 $0x21C00, s8;
	[sflag:s6] =	ssyncadd.s32 $0xFFFFE000  }
0xe: {  	[tilespmem:s3], [sflag:$0x2] =	stream.linear.gather [hbm4b:s8+s3], $0x80, $0x38;
	[tilespmem:$0x14080] =	vst v63  }
0xf: {  	s10 =	simm.s32 $0x1;
	s13 =	ssub.s32 $0x2, s9;
	_ =	swait.ge [sflag:s6], $0x80  }
0x10: {  	s9 =	simm.s32 $0x80;
	s14 =	sshrl.u32 s13, $0x1;
	[sflag:s6] =	ssyncset.done $0x0  }
0x11: {  	s12 =	sshll.u32 s12, $0x4;
	s31 =	ssub.s32 s13, s14;
	[sflag:s6] =	ssyncadd.s32 $0xFFFFFF80  }
0x12: {  	s11 =	sadd.s32 s12, s11;
	s12 =	smax.u32 s31, $0x1;
	[bflag:$0x0] =	sbarrier.arrive $0xFFFF  }
0x13: {  	[tilespmem:s9], [sflag:$0x1] =	stream.indirect.gather [spmem:s1], $0x80, s3, s9, $0xb8;
	[tilespmem:$0x14080] =	vst v63  }
0x14: {  	p0 =	sne.s32 s12, $0x1;
	_ =	swait.ge [sflag:s10], $0x4000  }
.Ltmp0:
0x15: {  	[sflag:s10] =	ssyncset.done $0x0;
	(pc) =	sbr.rel @!p0 .LBB2_2-.Ltmp0, $4  }
0x16: {  	s11 =	sadd.s32 $0x21E00, s11;
	[sflag:s10] =	ssyncadd.s32 $0xFFFFC000  }
0x17: {  	[hbm4b:s11+s3] =	stream.linear.scatter [tilespmem:s9], [sflag:$0x2], $0x4000, $0x38;
	[tilespmem:$0x14080] =	vst v63  }
0x18: {  	_ =	swait.ge [sflag:s6], $0x4000  }
0x19: {  	s12 =	sadd.s32 $0xFFFFFFFF, s12;
	[sflag:s6] =	ssyncset.done $0x0  }
.LBB2_1:
0x1a: {  	p0 =	sne.s32 s12, $0x1;
	s12 =	sadd.s32 $0xFFFFFFFF, s12;
	[sflag:s6] =	ssyncadd.s32 $0xFFFFC000  }
0x1b: {  	[spmem:s7], [sflag:s5] =	dma.local [hbm:s4], $0x2000  }
0x1c: {  	_ =	swait.ge [sflag:s6], $0x2000  }
0x1d: {  	[sflag:s6] =	ssyncset.done $0x0  }
0x1e: {  	[sflag:s6] =	ssyncadd.s32 $0xFFFFE000  }
0x1f: {  	[tilespmem:s3], [sflag:$0x2] =	stream.linear.gather [hbm4b:s8+s3], $0x80, $0x38;
	[tilespmem:$0x14080] =	vst v63  }
0x20: {  	_ =	swait.ge [sflag:s6], $0x80  }
0x21: {  	[sflag:s6] =	ssyncset.done $0x0  }
0x22: {  	[sflag:s6] =	ssyncadd.s32 $0xFFFFFF80  }
0x23: {  	[bflag:$0x0] =	sbarrier.arrive $0xFFFF  }
0x24: {  	[tilespmem:s9], [sflag:$0x1] =	stream.indirect.gather [spmem:s1], $0x80, s3, s9, $0xb8;
	[tilespmem:$0x14080] =	vst v63  }
0x25: {  	_ =	swait.ge [sflag:s10], $0x4000  }
.Ltmp1:
0x26: {  	[sflag:s10] =	ssyncset.done $0x0;
	(pc) =	sbr.rel @p0 .LBB2_1-.Ltmp1, $4  }
0x27: {  	[sflag:s10] =	ssyncadd.s32 $0xFFFFC000  }
0x28: {  	[hbm4b:s11+s3] =	stream.linear.scatter [tilespmem:s9], [sflag:$0x2], $0x4000, $0x38;
	[tilespmem:$0x14080] =	vst v63  }
0x29: {  	_ =	swait.ge [sflag:s6], $0x4000  }
0x2a: {  	[sflag:s6] =	ssyncset.done $0x0  }
.LBB2_2:
0x2b: {  	[sflag:s6] =	ssyncadd.s32 $0xFFFFC000  }
0x2c: {  	_ =	sfence.sel $0x180000  }
0x2d: {  	[bflag:$0x0] =	sbarrier.arrive $0xFFFF  }
0x2e: {  	p0 =	sne.s32 s2, $0x0;
	_ =	strace $0x90000047  }
0x2f: {  	s0 =	sadd.s32 @!p0 $0x100000, s0;
	[bflag:$0x2] =	sbarrier.arrive $0xFFFF  }
0x30: {  	[sflag:s0] =	ssyncadd.tile.s32 @!p0 $0x1;
	_ =	shalt  }
.Lfunc_end2:
_tile_overlayer_lowered:
.L_overlay_start_2:
0x31: {  	(tag) =	ssettag $0x2  }
0x32: {  	s0 =	rddreg [dreg:$0x0];
	s2 =	stileid.u32  }
0x33: {  	s1 =	rddreg [dreg:$0x1];
	p0 =	sne.s32 s2, $0x0  }
0x34: {  	s3 =	rddreg [dreg:$0x2];
	[bflag:$0x3] =	sbarrier.arrive $0xFFFF;
	s2 =	simm.s32 @!p0 $0x1C02  }
0x35: {  	[timem:s3], [sflag:s2] =	dma.local @!p0 [hbm:s0], s1  }
0x36: {  	s0 =	simm.s32 @!p0 $0x2  }
0x37: {  	_ =	swait.ge @!p0 [sflag:s0], s1  }
0x38: {  	s1 =	ssub.s32 @!p0 $0x0, s1;
	[sflag:s0] =	ssyncset.done @!p0 $0x0  }
0x39: {  	[sflag:s0] =	ssyncadd.s32 @!p0 s1  }
0x3a: {  	[bflag:$0x3] =	sbarrier.arrive $0xFFFF  }
0x3b: {  	_ =	shalt  }

// kernel: kernel.17.cloned.1.call-start
scs
__scs_entry_jumppad:
0x0: {  	(pc) =	sbr.rel $0x88, $3  }
0x1: {  	(tag) =	ssettag $0x0;
	lr =	simm.s32 $0x1  }
0x2: {  	[smem:$0x3F98] =	sst lr;
	_ =	strace $0xD0000000  }
0x3: {  	_ = 	snop  }
0x4: {  	_ = 	snop  }
0x5: {  	_ = 	snop  }
0x6: {  	_ = 	snop  }
0x7: {  	_ = 	snop  }
__scs_overlays_trampoline_lowered:
0x8: {  	[smem:$0x3FA7] =	sst s0  }
0x9: {  	[smem:$0x3FA8] =	sst s1  }
0xa: {  	[smem:$0x3FA9] =	sst s2  }
0xb: {  	[smem:$0x3FAA] =	sst s3  }
0xc: {  	[smem:$0x3FAB] =	sst s4  }
0xd: {  	[smem:$0x3FAC] =	sst s5  }
0xe: {  	[smem:$0x3FAD] =	sst s6  }
0xf: {  	[smem:$0x3FAE] =	sst s7  }
0x10: {  	[smem:$0x3FAF] =	sst s8  }
0x11: {  	[smem:$0x3FB0] =	sst s9;
	s0 =	simm.s32 @!p0 $0x0  }
0x12: {  	s1 =	sld [smem:$0x3F96];
	s0 =	simm.s32 @p0 $0x1  }
0x13: {  	[smem:$0x3FB1] =	sst s0;
	s0 =	simm.s32 @!p1 $0x0  }
0x14: {  	s2 =	sld [smem:$0x3F95];
	s0 =	simm.s32 @p1 $0x1  }
0x15: {  	[smem:$0x3FB2] =	sst s0;
	s0 =	simm.s32 @!p2 $0x0  }
0x16: {  	s3 =	sld [smem:$0x3FDB];
	s0 =	simm.s32 @p2 $0x1  }
0x17: {  	s4 =	simm.s32 $0x1BF5;
	[smem:$0x3FB4] =	sst s0  }
0x18: {  	s0 =	sld [smem:$0x3F97];
	_ =	swait.ge [sflag:s4], $0x0  }
0x19: {  	s7 =	sld [smem:$0x3F98]  }
0x1a: {  	s8 =	sadd.s32 $0xFFFFE003, lr  }
0x1b: {  	s9 =	sadd.s32 $0xFFFFFEF7, lr;
	s5 =	simm.s32 $0xFFFFFFFF;
	p2 =	slt.u32 s8, $0xFFFFF086  }
0x1c: {  	p1 =	slt.u32 s9, $0xF7A;
	s5 =	simm.s32 @!p2 $0x0  }
0x1d: {  	s5 =	simm.s32 @p1 $0x1;
	p0 =	seq.s32 s7, s2  }
0x1e: {  	s7 =	smul.u32 @!p0 $0xF7A, s2;
	p2 =	seq.s32 @!p0 s5, $0x0  }
0x1f: {  	s9 =	smul.u32 $0xF7A, s1;
	s8 =	simm.s32 @!p0 $0x1BF5;
	p2 =	por !p2, p0  }
0x20: {  	[sflag:s8] =	ssyncset.s32 @!p0 $0xFFFFF086;
	s6 =	sadd.s32 @!p0 s3, s7;
	s7 =	simm.s32 @!p0 $0x108  }
0x21: {  	s3 =	sadd.s32 s3, s9;
	s6 =	sadd.s32 @!p0 $0x88, s6;
	s7 =	simm.s32 @p2 $0x1082  }
0x22: {  	[simem:s7], [sflag:s8] =	dma.local @!p0 [hbm:s6], $0xF7A  }
0x23: {  	s9 =	sor.u32 $0xD0000000, s2;
	s6 =	simm.s32 $0x108;
	_ =	swait.ge @!p0 [sflag:s8], $0x0  }
0x24: {  	s3 =	sadd.s32 $0x88, s3;
	s6 =	simm.s32 @!p1 $0x1082;
	[sflag:s4] =	ssyncset.s32 $0xFFFFF086  }
0x25: {  	[simem:s6], [sflag:s4] =	dma.local [hbm:s3], $0xF7A  }
0x26: {  	[smem:$0x3F98] =	sst s1;
	(tag) =	ssettag s2;
	_ =	strace s9  }
0x27: {  	s1 =	sld [smem:$0x3FA8]  }
0x28: {  	s2 =	sld [smem:$0x3FA9]  }
0x29: {  	s4 =	sld [smem:$0x3FAB]  }
0x2a: {  	p0 =	seq.s32 s5, $0x0;
	s5 =	sld [smem:$0x3FAC]  }
0x2b: {  	s6 =	sld [smem:$0x3FAD]  }
0x2c: {  	s7 =	sld [smem:$0x3FAE]  }
0x2d: {  	s3 =	simm.s32 $0x108;
	s8 =	sld [smem:$0x3FAF]  }
0x2e: {  	s3 =	simm.s32 @!p0 $0x1082;
	s9 =	sld [smem:$0x3FB0]  }
0x2f: {  	lr =	sadd.s32 s0, s3;
	s0 =	sld [smem:$0x3FA7]  }
0x30: {  	s3 =	sld [smem:$0x3FAA]  }
0x31: {  	[smem:$0x3FB3] =	sst s10  }
0x32: {  	s10 =	sld [smem:$0x3FB1];
	_ =	sdelay $0x3  }
0x33: {  	p0 =	seq.s32 s10, $0x1;
	s10 =	sld [smem:$0x3FB3];
	_ =	sdelay $0x3  }
0x34: {  	[smem:$0x3FB3] =	sst s10  }
0x35: {  	s10 =	sld [smem:$0x3FB2];
	_ =	sdelay $0x3  }
0x36: {  	p1 =	seq.s32 s10, $0x1;
	s10 =	sld [smem:$0x3FB3];
	_ =	sdelay $0x3  }
0x37: {  	[smem:$0x3FB3] =	sst s10  }
0x38: {  	s10 =	sld [smem:$0x3FB4]  }
0x39: {  	_ = 	snop;
	(pc) =	sbr.ind lr, $3  }
0x3a: {  	_ = 	snop  }
0x3b: {  	_ = 	snop  }
0x3c: {  	p2 =	seq.s32 s10, $0x1;
	s10 =	sld [smem:$0x3FB3]  }
0x3d: {  	_ =	shalt  }
0x3e: {  	_ =	shalt  }
0x3f: {  	_ =	shalt  }
0x40: {  	_ =	shalt  }
0x41: {  	_ =	shalt  }
0x42: {  	_ =	shalt  }
0x43: {  	_ =	shalt  }
0x44: {  	_ =	shalt  }
0x45: {  	_ =	shalt  }
0x46: {  	_ =	shalt  }
0x47: {  	_ =	shalt  }
0x48: {  	_ =	shalt  }
0x49: {  	_ =	shalt  }
0x4a: {  	_ =	shalt  }
0x4b: {  	_ =	shalt  }
0x4c: {  	_ =	shalt  }
0x4d: {  	_ =	shalt  }
0x4e: {  	_ =	shalt  }
0x4f: {  	_ =	shalt  }
0x50: {  	_ =	shalt  }
0x51: {  	_ =	shalt  }
0x52: {  	_ =	shalt  }
0x53: {  	_ =	shalt  }
0x54: {  	_ =	shalt  }
0x55: {  	_ =	shalt  }
0x56: {  	_ =	shalt  }
0x57: {  	_ =	shalt  }
0x58: {  	_ =	shalt  }
0x59: {  	_ =	shalt  }
0x5a: {  	_ =	shalt  }
0x5b: {  	_ =	shalt  }
0x5c: {  	_ =	shalt  }
0x5d: {  	_ =	shalt  }
0x5e: {  	_ =	shalt  }
0x5f: {  	_ =	shalt  }
0x60: {  	_ =	shalt  }
0x61: {  	_ =	shalt  }
0x62: {  	_ =	shalt  }
0x63: {  	_ =	shalt  }
0x64: {  	_ =	shalt  }
0x65: {  	_ =	shalt  }
0x66: {  	_ =	shalt  }
0x67: {  	_ =	shalt  }
0x68: {  	_ =	shalt  }
0x69: {  	_ =	shalt  }
0x6a: {  	_ =	shalt  }
0x6b: {  	_ =	shalt  }
0x6c: {  	_ =	shalt  }
0x6d: {  	_ =	shalt  }
0x6e: {  	_ =	shalt  }
0x6f: {  	_ =	shalt  }
0x70: {  	_ =	shalt  }
0x71: {  	_ =	shalt  }
0x72: {  	_ =	shalt  }
0x73: {  	_ =	shalt  }
0x74: {  	_ =	shalt  }
0x75: {  	_ =	shalt  }
0x76: {  	_ =	shalt  }
0x77: {  	_ =	shalt  }
0x78: {  	_ =	shalt  }
0x79: {  	_ =	shalt  }
0x7a: {  	_ =	shalt  }
0x7b: {  	_ =	shalt  }
0x7c: {  	_ =	shalt  }
0x7d: {  	_ =	shalt  }
0x7e: {  	_ =	shalt  }
0x7f: {  	_ =	shalt  }
0x80: {  	_ =	shalt  }
0x81: {  	_ =	shalt  }
0x82: {  	_ =	shalt  }
0x83: {  	_ =	shalt  }
0x84: {  	_ =	shalt  }
0x85: {  	_ =	shalt  }
0x86: {  	_ =	shalt  }
0x87: {  	_ =	shalt  }
.Lfunc_end0:
.L_simem_size_0:
called_computation.1_lowered:
.L_overlay_start_0:
0x88: {  	s2 =	sld [smem:$0x3FD9]  }
0x89: {  	s3 =	sld [smem:$0x3FFE];
	_ =	sdelay $0x1  }
0x8a: {  	s1 =	srdreg.scid  }
0x8b: {  	s0 =	sand.u32 $0x1, s1  }
0x8c: {  	s17 =	sshll.u32 s0, $0xA;
	s2 =	sadd.s32 s3, s2  }
0x8d: {  	s2 =	sadd.s32 s2, s17  }
0x8e: {  	[smem:$0x3FBF] =	sst s2  }
0x8f: {  	_ = 	snop  }
0x90: {  	(tm) =	ssettm $0x1  }
0x91: {  	s18 =	sld [smem:$0x3FFB];
	_ =	sdelay $0x3  }
0x92: {  	_ =	strace s18  }
0x93: {  	s2 =	sld [smem:$0x3FFC];
	_ =	sdelay $0x3  }
0x94: {  	_ =	strace s2  }
0x95: {  	s2 =	sld [smem:$0x3FFD];
	_ =	sdelay $0x3  }
0x96: {  	_ =	strace s2  }
0x97: {  	_ =	strace $0x8FFFFFFF  }
0x98: {  	s19 =	sld [smem:$0x3FDB];
	_ =	sdelay $0x1  }
0x99: {  	s20 =	simm.s32 $_scs_section_size  }
0x9a: {  	s4 =	simm.s32 $_size__tile_overlayer_lowered;
	s5 =	simm.s32 $_tile_overlayer_lowered  }
0x9b: {  	s6 =	simm.s32 $0x1BFF;
	s21 =	sshll.u32 s5, $0x1;
	s3 =	sadd.s32 s20, s19  }
0x9c: {  	s22 =	simm.s32 $0x0;
	s4 =	sshll.u32 s4, $0x1;
	s5 =	sadd.s32 s21, s3  }
0x9d: {  	[timem:s22], [sflag:s6] =	dma.local [hbm:s5], s4  }
0x9e: {  	_ =	swait.ge [sflag:s6], s4  }
0x9f: {  	s4 =	ssub.s32 $0x0, s4;
	[sflag:s6] =	ssyncset.done $0x0  }
0xa0: {  	[sflag:s6] =	ssyncadd.s32 s4;
	_ =	sdelay $0x1  }
0xa1: {  	s23 =	simm.s32 $0x1B8B  }
0xa2: {  	_ =	swait.ge [sflag:s23], $0x1  }
0xa3: {  	[sflag:s23] =	ssyncset.done $0x0  }
0xa4: {  	[sflag:s23] =	ssyncadd.s32 $0xFFFFFFFF  }
0xa5: {  	s4 =	sld [smem:$0x0]  }
0xa6: {  	s5 =	sand.u32 $0xFFFFFFFE, s1  }
0xa7: {  	p0 =	sne.s32 s1, s5  }
0xa8: {  	s5 =	sshll.u32 @p0 s5, $0xE  }
0xa9: {  	s5 =	sadd.s32 @p0 $0x11B8D, s5;
	s6 =	sshll.u32 @p0 s4, $0x11  }
0xaa: {  	s5 =	sor.u32 @p0 s6, s5  }
0xab: {  	[sflag:s5] =	ssyncadd.remote.s32 @p0 $0x1;
	_ =	sdelay $0x1  }
0xac: {  	s5 =	simm.s32 @p0 $0x1B8D  }
0xad: {  	_ =	swait.eq @p0 [sflag:s5], $0x1  }
0xae: {  	[sflag:s5] =	ssyncadd.s32 @p0 $0xFFFFFFFF  }
0xaf: {  	s6 =	sshll.u32 @!p0 s1, $0xE  }
0xb0: {  	s6 =	sor.u32 @!p0 $0x4000, s6;
	s5 =	simm.s32 @!p0 $0x1B8D  }
0xb1: {  	s4 =	sshll.u32 @!p0 s4, $0x11;
	s6 =	sadd.s32 @!p0 $0x11B8D, s6;
	_ =	swait.eq @!p0 [sflag:s5], $0x1  }
0xb2: {  	s4 =	sor.u32 @!p0 s4, s6;
	[sflag:s5] =	ssyncadd.s32 @!p0 $0xFFFFFFFF  }
0xb3: {  	s25 =	simm.s32 $0x1B8E;
	s24 =	sld [smem:$0x3FFE];
	[sflag:s4] =	ssyncadd.remote.s32 @!p0 $0x1  }
0xb4: {  	s26 =	simm.s32 $execute0_lowered;
	[smem:$0x3FD2] =	sst s25  }
0xb5: {  	s5 =	sshll.u32 s26, $0x1;
	_ =	strace $0x80000049;
	[dreg:$0x1] =	wrdreg $0xFFFFFFFF  }
0xb6: {  	s28 =	simm.s32 $_size_execute0_lowered;
	s3 =	sadd.s32 s3, s5;
	[dreg:$0x0] =	wrdreg $0x0  }
0xb7: {  	s5 =	sshll.u32 s28, $0x1;
	[dreg:$0x2] =	wrdreg s3  }
0xb8: {  	[dreg:$0x3] =	wrdreg s5  }
0xb9: {  	[dreg:$0x4] =	wrdreg $0xC0  }
0xba: {  	_ =	task [dreg:s22], $0x5FFFF  }
0xbb: {  	[dreg:$0x1] =	wrdreg $0xFFFFFFFF  }
0xbc: {  	[dreg:$0x0] =	wrdreg $0x60  }
0xbd: {  	[dreg:$0x2] =	wrdreg s24  }
0xbe: {  	[dreg:$0x3] =	wrdreg $0x40800  }
0xbf: {  	[dreg:$0x4] =	wrdreg $0xA  }
0xc0: {  	_ =	task.clear_ibuf [dreg:s22], $0x5FFFF;
	_ =	strace $0x90000049  }
0xc1: {  	s29 =	simm.s32 $0xA;
	_ =	strace $0x8000004B  }
0xc2: {  	_ =	swait.ge [sflag:s29], $0x1  }
0xc3: {  	[sflag:s29] =	ssyncadd.s32 $0xFFFFFFFF  }
0xc4: {  	_ =	strace $0x9000004B  }
0xc5: {  	_ =	sfence  }
0xc6: {  	s30 =	sld [smem:$0x0];
	_ =	sdelay $0x2  }
0xc7: {  	s31 =	sshll.u32 s1, $0xD;
	s1 =	sshrl.u32 s1, $0x2  }
0xc8: {  	s4 =	sand.u32 $0x4000, s31;
	s1 =	sadd.s32 s1, s30  }
0xc9: {  	s0 =	sor.u32 s4, s0;
	s1 =	sshll.u32 s1, $0x11  }
0xca: {  	s0 =	sor.u32 s1, s0  }
0xcb: {  	s0 =	sadd.s32 $0x8F2B, s0  }
0xcc: {  	[sflag:s0] =	ssyncadd.remote.s32 $0x1  }
0xcd: {  	_ =	sfence.sel $0xFFFF  }
0xce: {  	[dreg:$0x0] =	wrdreg $0xFFFFFFFF;
	(pc) =	sbr.abs _section_cstart, $3  }
0xcf: {  	[dreg:$0x1] =	wrdreg $0xFFFFFFFF  }
0xd0: {  	_ =	task.clear_ibuf [dreg:s22], $0x2FFFF;
	_ =	strace $0x9FFFFFFF  }
0xd1: {  	(tm) =	ssettm $0x7FFFFFFF  }
tec
execute0_lowered:
.L_overlay_start_1:
0x0: {  	(tag) =	ssettag $0x1  }
0x1: {  	s11 =	rddreg [dreg:$0x0]  }
0x2: {  	s1 =	rddreg [dreg:$0x1]  }
0x3: {  	s0 =	rddreg [dreg:$0x2]  }
0x4: {  	s3 =	simm.s32 $0x0;
	s4 =	srdreg.scid;
	s2 =	stileid.u32  }
0x5: {  	[smem:$0x7FF] =	sst s3;
	s9 =	sand.u32 $0x1, s4;
	s25 =	sshll.u32 s2, $0x8  }
0x6: {  	s6 =	sshll.u32 s2, $0xD;
	s28 =	sshll.u32 s2, $0x10;
	s30 =	sshll.u32 s2, $0x6  }
0x7: {  	_ =	strace $0x8000004A;
	s5 =	sshll.u32 s9, $0x7;
	s26 =	sadd.s32 s6, s11  }
0x8: {  	s29 =	sadd.s32 s28, s1;
	s6 =	simm.s32 $0x2;
	s12 =	sor.u32 s5, s25  }
0x9: {  	s4 =	sadd.s32 $0x1C00, s26;
	s5 =	sor.u32 $0x1C02, s30;
	s7 =	sshrl.u32 s29, $0x3  }
0xa: {  	[spmem:s7], [sflag:s5] =	dma.local [hbm:s4], $0x2000  }
0xb: {  	s8 =	sshrl.u32 s12, $0x3;
	_ =	swait.ge [sflag:s6], $0x2000  }
0xc: {  	s8 =	sadd.s32 s8, s11;
	[sflag:s6] =	ssyncset.done $0x0  }
0xd: {  	s8 =	sadd.s32 $0x31E00, s8;
	[sflag:s6] =	ssyncadd.s32 $0xFFFFE000  }
0xe: {  	[tilespmem:s3], [sflag:$0x2] =	stream.linear.gather [hbm4b:s8+s3], $0x80, $0x38;
	[tilespmem:$0x14080] =	vst v63  }
0xf: {  	s10 =	simm.s32 $0x1;
	s13 =	ssub.s32 $0x2, s9;
	_ =	swait.ge [sflag:s6], $0x80  }
0x10: {  	s9 =	simm.s32 $0x80;
	s14 =	sshrl.u32 s13, $0x1;
	[sflag:s6] =	ssyncset.done $0x0  }
0x11: {  	s12 =	sshll.u32 s12, $0x4;
	s31 =	ssub.s32 s13, s14;
	[sflag:s6] =	ssyncadd.s32 $0xFFFFFF80  }
0x12: {  	s11 =	sadd.s32 s12, s11;
	s12 =	smax.u32 s31, $0x1;
	[bflag:$0x0] =	sbarrier.arrive $0xFFFF  }
0x13: {  	[tilespmem:s9], [sflag:$0x1] =	stream.indirect.gather [spmem:s1], $0x80, s3, s9, $0xb8;
	[tilespmem:$0x14080] =	vst v63  }
0x14: {  	p0 =	sne.s32 s12, $0x1;
	_ =	swait.ge [sflag:s10], $0x4000  }
.Ltmp0:
0x15: {  	[sflag:s10] =	ssyncset.done $0x0;
	(pc) =	sbr.rel @!p0 .LBB2_2-.Ltmp0, $4  }
0x16: {  	s11 =	sadd.s32 $0x32000, s11;
	[sflag:s10] =	ssyncadd.s32 $0xFFFFC000  }
0x17: {  	[hbm4b:s11+s3] =	stream.linear.scatter [tilespmem:s9], [sflag:$0x2], $0x4000, $0x38;
	[tilespmem:$0x14080] =	vst v63  }
0x18: {  	_ =	swait.ge [sflag:s6], $0x4000  }
0x19: {  	s12 =	sadd.s32 $0xFFFFFFFF, s12;
	[sflag:s6] =	ssyncset.done $0x0  }
.LBB2_1:
0x1a: {  	p0 =	sne.s32 s12, $0x1;
	s12 =	sadd.s32 $0xFFFFFFFF, s12;
	[sflag:s6] =	ssyncadd.s32 $0xFFFFC000  }
0x1b: {  	[spmem:s7], [sflag:s5] =	dma.local [hbm:s4], $0x2000  }
0x1c: {  	_ =	swait.ge [sflag:s6], $0x2000  }
0x1d: {  	[sflag:s6] =	ssyncset.done $0x0  }
0x1e: {  	[sflag:s6] =	ssyncadd.s32 $0xFFFFE000  }
0x1f: {  	[tilespmem:s3], [sflag:$0x2] =	stream.linear.gather [hbm4b:s8+s3], $0x80, $0x38;
	[tilespmem:$0x14080] =	vst v63  }
0x20: {  	_ =	swait.ge [sflag:s6], $0x80  }
0x21: {  	[sflag:s6] =	ssyncset.done $0x0  }
0x22: {  	[sflag:s6] =	ssyncadd.s32 $0xFFFFFF80  }
0x23: {  	[bflag:$0x0] =	sbarrier.arrive $0xFFFF  }
0x24: {  	[tilespmem:s9], [sflag:$0x1] =	stream.indirect.gather [spmem:s1], $0x80, s3, s9, $0xb8;
	[tilespmem:$0x14080] =	vst v63  }
0x25: {  	_ =	swait.ge [sflag:s10], $0x4000  }
.Ltmp1:
0x26: {  	[sflag:s10] =	ssyncset.done $0x0;
	(pc) =	sbr.rel @p0 .LBB2_1-.Ltmp1, $4  }
0x27: {  	[sflag:s10] =	ssyncadd.s32 $0xFFFFC000  }
0x28: {  	[hbm4b:s11+s3] =	stream.linear.scatter [tilespmem:s9], [sflag:$0x2], $0x4000, $0x38;
	[tilespmem:$0x14080] =	vst v63  }
0x29: {  	_ =	swait.ge [sflag:s6], $0x4000  }
0x2a: {  	[sflag:s6] =	ssyncset.done $0x0  }
.LBB2_2:
0x2b: {  	[sflag:s6] =	ssyncadd.s32 $0xFFFFC000  }
0x2c: {  	_ =	sfence.sel $0x180000  }
0x2d: {  	[bflag:$0x0] =	sbarrier.arrive $0xFFFF  }
0x2e: {  	p0 =	sne.s32 s2, $0x0;
	_ =	strace $0x9000004A  }
0x2f: {  	s0 =	sadd.s32 @!p0 $0x100000, s0;
	[bflag:$0x2] =	sbarrier.arrive $0xFFFF  }
0x30: {  	[sflag:s0] =	ssyncadd.tile.s32 @!p0 $0x1;
	_ =	shalt  }
.Lfunc_end2:
_tile_overlayer_lowered:
.L_overlay_start_2:
0x31: {  	(tag) =	ssettag $0x2  }
0x32: {  	s0 =	rddreg [dreg:$0x0];
	s2 =	stileid.u32  }
0x33: {  	s1 =	rddreg [dreg:$0x1];
	p0 =	sne.s32 s2, $0x0  }
0x34: {  	s3 =	rddreg [dreg:$0x2];
	[bflag:$0x3] =	sbarrier.arrive $0xFFFF;
	s2 =	simm.s32 @!p0 $0x1C02  }
0x35: {  	[timem:s3], [sflag:s2] =	dma.local @!p0 [hbm:s0], s1  }
0x36: {  	s0 =	simm.s32 @!p0 $0x2  }
0x37: {  	_ =	swait.ge @!p0 [sflag:s0], s1  }
0x38: {  	s1 =	ssub.s32 @!p0 $0x0, s1;
	[sflag:s0] =	ssyncset.done @!p0 $0x0  }
0x39: {  	[sflag:s0] =	ssyncadd.s32 @!p0 s1  }
0x3a: {  	[bflag:$0x3] =	sbarrier.arrive $0xFFFF  }
0x3b: {  	_ =	shalt  }

// kernel: kernel.20.cloned.1.call-start
scs
__scs_entry_jumppad:
0x0: {  	(pc) =	sbr.rel $0x88, $3  }
0x1: {  	(tag) =	ssettag $0x0;
	lr =	simm.s32 $0x1  }
0x2: {  	[smem:$0x3F98] =	sst lr;
	_ =	strace $0xD0000000  }
0x3: {  	_ = 	snop  }
0x4: {  	_ = 	snop  }
0x5: {  	_ = 	snop  }
0x6: {  	_ = 	snop  }
0x7: {  	_ = 	snop  }
__scs_overlays_trampoline_lowered:
0x8: {  	[smem:$0x3FA7] =	sst s0  }
0x9: {  	[smem:$0x3FA8] =	sst s1  }
0xa: {  	[smem:$0x3FA9] =	sst s2  }
0xb: {  	[smem:$0x3FAA] =	sst s3  }
0xc: {  	[smem:$0x3FAB] =	sst s4  }
0xd: {  	[smem:$0x3FAC] =	sst s5  }
0xe: {  	[smem:$0x3FAD] =	sst s6  }
0xf: {  	[smem:$0x3FAE] =	sst s7  }
0x10: {  	[smem:$0x3FAF] =	sst s8  }
0x11: {  	[smem:$0x3FB0] =	sst s9;
	s0 =	simm.s32 @!p0 $0x0  }
0x12: {  	s1 =	sld [smem:$0x3F96];
	s0 =	simm.s32 @p0 $0x1  }
0x13: {  	[smem:$0x3FB1] =	sst s0;
	s0 =	simm.s32 @!p1 $0x0  }
0x14: {  	s2 =	sld [smem:$0x3F95];
	s0 =	simm.s32 @p1 $0x1  }
0x15: {  	[smem:$0x3FB2] =	sst s0;
	s0 =	simm.s32 @!p2 $0x0  }
0x16: {  	s3 =	sld [smem:$0x3FDB];
	s0 =	simm.s32 @p2 $0x1  }
0x17: {  	s4 =	simm.s32 $0x1BF5;
	[smem:$0x3FB4] =	sst s0  }
0x18: {  	s0 =	sld [smem:$0x3F97];
	_ =	swait.ge [sflag:s4], $0x0  }
0x19: {  	s7 =	sld [smem:$0x3F98]  }
0x1a: {  	s8 =	sadd.s32 $0xFFFFE003, lr  }
0x1b: {  	s9 =	sadd.s32 $0xFFFFFEF7, lr;
	s5 =	simm.s32 $0xFFFFFFFF;
	p2 =	slt.u32 s8, $0xFFFFF086  }
0x1c: {  	p1 =	slt.u32 s9, $0xF7A;
	s5 =	simm.s32 @!p2 $0x0  }
0x1d: {  	s5 =	simm.s32 @p1 $0x1;
	p0 =	seq.s32 s7, s2  }
0x1e: {  	s7 =	smul.u32 @!p0 $0xF7A, s2;
	p2 =	seq.s32 @!p0 s5, $0x0  }
0x1f: {  	s9 =	smul.u32 $0xF7A, s1;
	s8 =	simm.s32 @!p0 $0x1BF5;
	p2 =	por !p2, p0  }
0x20: {  	[sflag:s8] =	ssyncset.s32 @!p0 $0xFFFFF086;
	s6 =	sadd.s32 @!p0 s3, s7;
	s7 =	simm.s32 @!p0 $0x108  }
0x21: {  	s3 =	sadd.s32 s3, s9;
	s6 =	sadd.s32 @!p0 $0x88, s6;
	s7 =	simm.s32 @p2 $0x1082  }
0x22: {  	[simem:s7], [sflag:s8] =	dma.local @!p0 [hbm:s6], $0xF7A  }
0x23: {  	s9 =	sor.u32 $0xD0000000, s2;
	s6 =	simm.s32 $0x108;
	_ =	swait.ge @!p0 [sflag:s8], $0x0  }
0x24: {  	s3 =	sadd.s32 $0x88, s3;
	s6 =	simm.s32 @!p1 $0x1082;
	[sflag:s4] =	ssyncset.s32 $0xFFFFF086  }
0x25: {  	[simem:s6], [sflag:s4] =	dma.local [hbm:s3], $0xF7A  }
0x26: {  	[smem:$0x3F98] =	sst s1;
	(tag) =	ssettag s2;
	_ =	strace s9  }
0x27: {  	s1 =	sld [smem:$0x3FA8]  }
0x28: {  	s2 =	sld [smem:$0x3FA9]  }
0x29: {  	s4 =	sld [smem:$0x3FAB]  }
0x2a: {  	p0 =	seq.s32 s5, $0x0;
	s5 =	sld [smem:$0x3FAC]  }
0x2b: {  	s6 =	sld [smem:$0x3FAD]  }
0x2c: {  	s7 =	sld [smem:$0x3FAE]  }
0x2d: {  	s3 =	simm.s32 $0x108;
	s8 =	sld [smem:$0x3FAF]  }
0x2e: {  	s3 =	simm.s32 @!p0 $0x1082;
	s9 =	sld [smem:$0x3FB0]  }
0x2f: {  	lr =	sadd.s32 s0, s3;
	s0 =	sld [smem:$0x3FA7]  }
0x30: {  	s3 =	sld [smem:$0x3FAA]  }
0x31: {  	[smem:$0x3FB3] =	sst s10  }
0x32: {  	s10 =	sld [smem:$0x3FB1];
	_ =	sdelay $0x3  }
0x33: {  	p0 =	seq.s32 s10, $0x1;
	s10 =	sld [smem:$0x3FB3];
	_ =	sdelay $0x3  }
0x34: {  	[smem:$0x3FB3] =	sst s10  }
0x35: {  	s10 =	sld [smem:$0x3FB2];
	_ =	sdelay $0x3  }
0x36: {  	p1 =	seq.s32 s10, $0x1;
	s10 =	sld [smem:$0x3FB3];
	_ =	sdelay $0x3  }
0x37: {  	[smem:$0x3FB3] =	sst s10  }
0x38: {  	s10 =	sld [smem:$0x3FB4]  }
0x39: {  	_ = 	snop;
	(pc) =	sbr.ind lr, $3  }
0x3a: {  	_ = 	snop  }
0x3b: {  	_ = 	snop  }
0x3c: {  	p2 =	seq.s32 s10, $0x1;
	s10 =	sld [smem:$0x3FB3]  }
0x3d: {  	_ =	shalt  }
0x3e: {  	_ =	shalt  }
0x3f: {  	_ =	shalt  }
0x40: {  	_ =	shalt  }
0x41: {  	_ =	shalt  }
0x42: {  	_ =	shalt  }
0x43: {  	_ =	shalt  }
0x44: {  	_ =	shalt  }
0x45: {  	_ =	shalt  }
0x46: {  	_ =	shalt  }
0x47: {  	_ =	shalt  }
0x48: {  	_ =	shalt  }
0x49: {  	_ =	shalt  }
0x4a: {  	_ =	shalt  }
0x4b: {  	_ =	shalt  }
0x4c: {  	_ =	shalt  }
0x4d: {  	_ =	shalt  }
0x4e: {  	_ =	shalt  }
0x4f: {  	_ =	shalt  }
0x50: {  	_ =	shalt  }
0x51: {  	_ =	shalt  }
0x52: {  	_ =	shalt  }
0x53: {  	_ =	shalt  }
0x54: {  	_ =	shalt  }
0x55: {  	_ =	shalt  }
0x56: {  	_ =	shalt  }
0x57: {  	_ =	shalt  }
0x58: {  	_ =	shalt  }
0x59: {  	_ =	shalt  }
0x5a: {  	_ =	shalt  }
0x5b: {  	_ =	shalt  }
0x5c: {  	_ =	shalt  }
0x5d: {  	_ =	shalt  }
0x5e: {  	_ =	shalt  }
0x5f: {  	_ =	shalt  }
0x60: {  	_ =	shalt  }
0x61: {  	_ =	shalt  }
0x62: {  	_ =	shalt  }
0x63: {  	_ =	shalt  }
0x64: {  	_ =	shalt  }
0x65: {  	_ =	shalt  }
0x66: {  	_ =	shalt  }
0x67: {  	_ =	shalt  }
0x68: {  	_ =	shalt  }
0x69: {  	_ =	shalt  }
0x6a: {  	_ =	shalt  }
0x6b: {  	_ =	shalt  }
0x6c: {  	_ =	shalt  }
0x6d: {  	_ =	shalt  }
0x6e: {  	_ =	shalt  }
0x6f: {  	_ =	shalt  }
0x70: {  	_ =	shalt  }
0x71: {  	_ =	shalt  }
0x72: {  	_ =	shalt  }
0x73: {  	_ =	shalt  }
0x74: {  	_ =	shalt  }
0x75: {  	_ =	shalt  }
0x76: {  	_ =	shalt  }
0x77: {  	_ =	shalt  }
0x78: {  	_ =	shalt  }
0x79: {  	_ =	shalt  }
0x7a: {  	_ =	shalt  }
0x7b: {  	_ =	shalt  }
0x7c: {  	_ =	shalt  }
0x7d: {  	_ =	shalt  }
0x7e: {  	_ =	shalt  }
0x7f: {  	_ =	shalt  }
0x80: {  	_ =	shalt  }
0x81: {  	_ =	shalt  }
0x82: {  	_ =	shalt  }
0x83: {  	_ =	shalt  }
0x84: {  	_ =	shalt  }
0x85: {  	_ =	shalt  }
0x86: {  	_ =	shalt  }
0x87: {  	_ =	shalt  }
.Lfunc_end0:
.L_simem_size_0:
called_computation.2_lowered:
.L_overlay_start_0:
0x88: {  	s2 =	sld [smem:$0x3FD9]  }
0x89: {  	s3 =	sld [smem:$0x3FFE];
	_ =	sdelay $0x1  }
0x8a: {  	s1 =	srdreg.scid  }
0x8b: {  	s0 =	sand.u32 $0x1, s1  }
0x8c: {  	s17 =	sshll.u32 s0, $0xA;
	s2 =	sadd.s32 s3, s2  }
0x8d: {  	s2 =	sadd.s32 s2, s17  }
0x8e: {  	[smem:$0x3FBF] =	sst s2  }
0x8f: {  	_ = 	snop  }
0x90: {  	(tm) =	ssettm $0x1  }
0x91: {  	s18 =	sld [smem:$0x3FFB];
	_ =	sdelay $0x3  }
0x92: {  	_ =	strace s18  }
0x93: {  	s2 =	sld [smem:$0x3FFC];
	_ =	sdelay $0x3  }
0x94: {  	_ =	strace s2  }
0x95: {  	s2 =	sld [smem:$0x3FFD];
	_ =	sdelay $0x3  }
0x96: {  	_ =	strace s2  }
0x97: {  	_ =	strace $0x8FFFFFFF  }
0x98: {  	s19 =	sld [smem:$0x3FDB];
	_ =	sdelay $0x1  }
0x99: {  	s20 =	simm.s32 $_scs_section_size  }
0x9a: {  	s4 =	simm.s32 $_size__tile_overlayer_lowered;
	s5 =	simm.s32 $_tile_overlayer_lowered  }
0x9b: {  	s6 =	simm.s32 $0x1BFF;
	s21 =	sshll.u32 s5, $0x1;
	s3 =	sadd.s32 s20, s19  }
0x9c: {  	s22 =	simm.s32 $0x0;
	s4 =	sshll.u32 s4, $0x1;
	s5 =	sadd.s32 s21, s3  }
0x9d: {  	[timem:s22], [sflag:s6] =	dma.local [hbm:s5], s4  }
0x9e: {  	_ =	swait.ge [sflag:s6], s4  }
0x9f: {  	s4 =	ssub.s32 $0x0, s4;
	[sflag:s6] =	ssyncset.done $0x0  }
0xa0: {  	[sflag:s6] =	ssyncadd.s32 s4;
	_ =	sdelay $0x1  }
0xa1: {  	s23 =	simm.s32 $0x1B8B  }
0xa2: {  	_ =	swait.ge [sflag:s23], $0x1  }
0xa3: {  	[sflag:s23] =	ssyncset.done $0x0  }
0xa4: {  	[sflag:s23] =	ssyncadd.s32 $0xFFFFFFFF  }
0xa5: {  	s4 =	sld [smem:$0x0]  }
0xa6: {  	s5 =	sand.u32 $0xFFFFFFFE, s1  }
0xa7: {  	p0 =	sne.s32 s1, s5  }
0xa8: {  	s5 =	sshll.u32 @p0 s5, $0xE  }
0xa9: {  	s5 =	sadd.s32 @p0 $0x11B8D, s5;
	s6 =	sshll.u32 @p0 s4, $0x11  }
0xaa: {  	s5 =	sor.u32 @p0 s6, s5  }
0xab: {  	[sflag:s5] =	ssyncadd.remote.s32 @p0 $0x1;
	_ =	sdelay $0x1  }
0xac: {  	s5 =	simm.s32 @p0 $0x1B8D  }
0xad: {  	_ =	swait.eq @p0 [sflag:s5], $0x1  }
0xae: {  	[sflag:s5] =	ssyncadd.s32 @p0 $0xFFFFFFFF  }
0xaf: {  	s6 =	sshll.u32 @!p0 s1, $0xE  }
0xb0: {  	s6 =	sor.u32 @!p0 $0x4000, s6;
	s5 =	simm.s32 @!p0 $0x1B8D  }
0xb1: {  	s4 =	sshll.u32 @!p0 s4, $0x11;
	s6 =	sadd.s32 @!p0 $0x11B8D, s6;
	_ =	swait.eq @!p0 [sflag:s5], $0x1  }
0xb2: {  	s4 =	sor.u32 @!p0 s4, s6;
	[sflag:s5] =	ssyncadd.s32 @!p0 $0xFFFFFFFF  }
0xb3: {  	s25 =	simm.s32 $0x1B8E;
	s24 =	sld [smem:$0x3FFE];
	[sflag:s4] =	ssyncadd.remote.s32 @!p0 $0x1  }
0xb4: {  	s26 =	simm.s32 $execute0_lowered;
	[smem:$0x3FD2] =	sst s25  }
0xb5: {  	s5 =	sshll.u32 s26, $0x1;
	_ =	strace $0x8000004C;
	[dreg:$0x1] =	wrdreg $0xFFFFFFFF  }
0xb6: {  	s28 =	simm.s32 $_size_execute0_lowered;
	s3 =	sadd.s32 s3, s5;
	[dreg:$0x0] =	wrdreg $0x0  }
0xb7: {  	s5 =	sshll.u32 s28, $0x1;
	[dreg:$0x2] =	wrdreg s3  }
0xb8: {  	[dreg:$0x3] =	wrdreg s5  }
0xb9: {  	[dreg:$0x4] =	wrdreg $0xC0  }
0xba: {  	_ =	task [dreg:s22], $0x5FFFF  }
0xbb: {  	[dreg:$0x1] =	wrdreg $0xFFFFFFFF  }
0xbc: {  	[dreg:$0x0] =	wrdreg $0x60  }
0xbd: {  	[dreg:$0x2] =	wrdreg s24  }
0xbe: {  	[dreg:$0x3] =	wrdreg $0x40800  }
0xbf: {  	[dreg:$0x4] =	wrdreg $0xB  }
0xc0: {  	_ =	task.clear_ibuf [dreg:s22], $0x5FFFF;
	_ =	strace $0x9000004C  }
0xc1: {  	s29 =	simm.s32 $0xB;
	_ =	strace $0x8000004E  }
0xc2: {  	_ =	swait.ge [sflag:s29], $0x1  }
0xc3: {  	[sflag:s29] =	ssyncadd.s32 $0xFFFFFFFF  }
0xc4: {  	_ =	strace $0x9000004E  }
0xc5: {  	_ =	sfence  }
0xc6: {  	s30 =	sld [smem:$0x0];
	_ =	sdelay $0x2  }
0xc7: {  	s31 =	sshll.u32 s1, $0xD;
	s1 =	sshrl.u32 s1, $0x2  }
0xc8: {  	s4 =	sand.u32 $0x4000, s31;
	s1 =	sadd.s32 s1, s30  }
0xc9: {  	s0 =	sor.u32 s4, s0;
	s1 =	sshll.u32 s1, $0x11  }
0xca: {  	s0 =	sor.u32 s1, s0  }
0xcb: {  	s0 =	sadd.s32 $0x8F2B, s0  }
0xcc: {  	[sflag:s0] =	ssyncadd.remote.s32 $0x1  }
0xcd: {  	_ =	sfence.sel $0xFFFF  }
0xce: {  	[dreg:$0x0] =	wrdreg $0xFFFFFFFF;
	(pc) =	sbr.abs _section_cstart, $3  }
0xcf: {  	[dreg:$0x1] =	wrdreg $0xFFFFFFFF  }
0xd0: {  	_ =	task.clear_ibuf [dreg:s22], $0x2FFFF;
	_ =	strace $0x9FFFFFFF  }
0xd1: {  	(tm) =	ssettm $0x7FFFFFFF  }
tec
execute0_lowered:
.L_overlay_start_1:
0x0: {  	(tag) =	ssettag $0x1  }
0x1: {  	s11 =	rddreg [dreg:$0x0]  }
0x2: {  	s1 =	rddreg [dreg:$0x1]  }
0x3: {  	s0 =	rddreg [dreg:$0x2]  }
0x4: {  	s3 =	simm.s32 $0x0;
	s4 =	srdreg.scid;
	s2 =	stileid.u32  }
0x5: {  	[smem:$0x7FF] =	sst s3;
	s9 =	sand.u32 $0x1, s4;
	s25 =	sshll.u32 s2, $0x8  }
0x6: {  	s6 =	sshll.u32 s2, $0xD;
	s28 =	sshll.u32 s2, $0x10;
	s30 =	sshll.u32 s2, $0x6  }
0x7: {  	_ =	strace $0x8000004D;
	s5 =	sshll.u32 s9, $0x7;
	s26 =	sadd.s32 s6, s11  }
0x8: {  	s29 =	sadd.s32 s28, s1;
	s6 =	simm.s32 $0x2;
	s12 =	sor.u32 s5, s25  }
0x9: {  	s4 =	sadd.s32 $0x1C00, s26;
	s5 =	sor.u32 $0x1C02, s30;
	s7 =	sshrl.u32 s29, $0x3  }
0xa: {  	[spmem:s7], [sflag:s5] =	dma.local [hbm:s4], $0x2000  }
0xb: {  	s8 =	sshrl.u32 s12, $0x3;
	_ =	swait.ge [sflag:s6], $0x2000  }
0xc: {  	s8 =	sadd.s32 s8, s11;
	[sflag:s6] =	ssyncset.done $0x0  }
0xd: {  	s8 =	sadd.s32 $0x42000, s8;
	[sflag:s6] =	ssyncadd.s32 $0xFFFFE000  }
0xe: {  	[tilespmem:s3], [sflag:$0x2] =	stream.linear.gather [hbm4b:s8+s3], $0x80, $0x38;
	[tilespmem:$0x14080] =	vst v63  }
0xf: {  	s10 =	simm.s32 $0x1;
	s13 =	ssub.s32 $0x2, s9;
	_ =	swait.ge [sflag:s6], $0x80  }
0x10: {  	s9 =	simm.s32 $0x80;
	s14 =	sshrl.u32 s13, $0x1;
	[sflag:s6] =	ssyncset.done $0x0  }
0x11: {  	s12 =	sshll.u32 s12, $0x4;
	s31 =	ssub.s32 s13, s14;
	[sflag:s6] =	ssyncadd.s32 $0xFFFFFF80  }
0x12: {  	s11 =	sadd.s32 s12, s11;
	s12 =	smax.u32 s31, $0x1;
	[bflag:$0x0] =	sbarrier.arrive $0xFFFF  }
0x13: {  	[tilespmem:s9], [sflag:$0x1] =	stream.indirect.gather [spmem:s1], $0x80, s3, s9, $0xb8;
	[tilespmem:$0x14080] =	vst v63  }
0x14: {  	p0 =	sne.s32 s12, $0x1;
	_ =	swait.ge [sflag:s10], $0x4000  }
.Ltmp0:
0x15: {  	[sflag:s10] =	ssyncset.done $0x0;
	(pc) =	sbr.rel @!p0 .LBB2_2-.Ltmp0, $4  }
0x16: {  	s11 =	sadd.s32 $0x42200, s11;
	[sflag:s10] =	ssyncadd.s32 $0xFFFFC000  }
0x17: {  	[hbm4b:s11+s3] =	stream.linear.scatter [tilespmem:s9], [sflag:$0x2], $0x4000, $0x38;
	[tilespmem:$0x14080] =	vst v63  }
0x18: {  	_ =	swait.ge [sflag:s6], $0x4000  }
0x19: {  	s12 =	sadd.s32 $0xFFFFFFFF, s12;
	[sflag:s6] =	ssyncset.done $0x0  }
.LBB2_1:
0x1a: {  	p0 =	sne.s32 s12, $0x1;
	s12 =	sadd.s32 $0xFFFFFFFF, s12;
	[sflag:s6] =	ssyncadd.s32 $0xFFFFC000  }
0x1b: {  	[spmem:s7], [sflag:s5] =	dma.local [hbm:s4], $0x2000  }
0x1c: {  	_ =	swait.ge [sflag:s6], $0x2000  }
0x1d: {  	[sflag:s6] =	ssyncset.done $0x0  }
0x1e: {  	[sflag:s6] =	ssyncadd.s32 $0xFFFFE000  }
0x1f: {  	[tilespmem:s3], [sflag:$0x2] =	stream.linear.gather [hbm4b:s8+s3], $0x80, $0x38;
	[tilespmem:$0x14080] =	vst v63  }
0x20: {  	_ =	swait.ge [sflag:s6], $0x80  }
0x21: {  	[sflag:s6] =	ssyncset.done $0x0  }
0x22: {  	[sflag:s6] =	ssyncadd.s32 $0xFFFFFF80  }
0x23: {  	[bflag:$0x0] =	sbarrier.arrive $0xFFFF  }
0x24: {  	[tilespmem:s9], [sflag:$0x1] =	stream.indirect.gather [spmem:s1], $0x80, s3, s9, $0xb8;
	[tilespmem:$0x14080] =	vst v63  }
0x25: {  	_ =	swait.ge [sflag:s10], $0x4000  }
.Ltmp1:
0x26: {  	[sflag:s10] =	ssyncset.done $0x0;
	(pc) =	sbr.rel @p0 .LBB2_1-.Ltmp1, $4  }
0x27: {  	[sflag:s10] =	ssyncadd.s32 $0xFFFFC000  }
0x28: {  	[hbm4b:s11+s3] =	stream.linear.scatter [tilespmem:s9], [sflag:$0x2], $0x4000, $0x38;
	[tilespmem:$0x14080] =	vst v63  }
0x29: {  	_ =	swait.ge [sflag:s6], $0x4000  }
0x2a: {  	[sflag:s6] =	ssyncset.done $0x0  }
.LBB2_2:
0x2b: {  	[sflag:s6] =	ssyncadd.s32 $0xFFFFC000  }
0x2c: {  	_ =	sfence.sel $0x180000  }
0x2d: {  	[bflag:$0x0] =	sbarrier.arrive $0xFFFF  }
0x2e: {  	p0 =	sne.s32 s2, $0x0;
	_ =	strace $0x9000004D  }
0x2f: {  	s0 =	sadd.s32 @!p0 $0x100000, s0;
	[bflag:$0x2] =	sbarrier.arrive $0xFFFF  }
0x30: {  	[sflag:s0] =	ssyncadd.tile.s32 @!p0 $0x1;
	_ =	shalt  }
.Lfunc_end2:
_tile_overlayer_lowered:
.L_overlay_start_2:
0x31: {  	(tag) =	ssettag $0x2  }
0x32: {  	s0 =	rddreg [dreg:$0x0];
	s2 =	stileid.u32  }
0x33: {  	s1 =	rddreg [dreg:$0x1];
	p0 =	sne.s32 s2, $0x0  }
0x34: {  	s3 =	rddreg [dreg:$0x2];
	[bflag:$0x3] =	sbarrier.arrive $0xFFFF;
	s2 =	simm.s32 @!p0 $0x1C02  }
0x35: {  	[timem:s3], [sflag:s2] =	dma.local @!p0 [hbm:s0], s1  }
0x36: {  	s0 =	simm.s32 @!p0 $0x2  }
0x37: {  	_ =	swait.ge @!p0 [sflag:s0], s1  }
0x38: {  	s1 =	ssub.s32 @!p0 $0x0, s1;
	[sflag:s0] =	ssyncset.done @!p0 $0x0  }
0x39: {  	[sflag:s0] =	ssyncadd.s32 @!p0 s1  }
0x3a: {  	[bflag:$0x3] =	sbarrier.arrive $0xFFFF  }
0x3b: {  	_ =	shalt  }

// kernel: kernel.23.cloned.1.call-start
scs
__scs_entry_jumppad:
0x0: {  	(pc) =	sbr.rel $0x88, $3  }
0x1: {  	(tag) =	ssettag $0x0;
	lr =	simm.s32 $0x1  }
0x2: {  	[smem:$0x3F98] =	sst lr;
	_ =	strace $0xD0000000  }
0x3: {  	_ = 	snop  }
0x4: {  	_ = 	snop  }
0x5: {  	_ = 	snop  }
0x6: {  	_ = 	snop  }
0x7: {  	_ = 	snop  }
__scs_overlays_trampoline_lowered:
0x8: {  	[smem:$0x3FA7] =	sst s0  }
0x9: {  	[smem:$0x3FA8] =	sst s1  }
0xa: {  	[smem:$0x3FA9] =	sst s2  }
0xb: {  	[smem:$0x3FAA] =	sst s3  }
0xc: {  	[smem:$0x3FAB] =	sst s4  }
0xd: {  	[smem:$0x3FAC] =	sst s5  }
0xe: {  	[smem:$0x3FAD] =	sst s6  }
0xf: {  	[smem:$0x3FAE] =	sst s7  }
0x10: {  	[smem:$0x3FAF] =	sst s8  }
0x11: {  	[smem:$0x3FB0] =	sst s9;
	s0 =	simm.s32 @!p0 $0x0  }
0x12: {  	s1 =	sld [smem:$0x3F96];
	s0 =	simm.s32 @p0 $0x1  }
0x13: {  	[smem:$0x3FB1] =	sst s0;
	s0 =	simm.s32 @!p1 $0x0  }
0x14: {  	s2 =	sld [smem:$0x3F95];
	s0 =	simm.s32 @p1 $0x1  }
0x15: {  	[smem:$0x3FB2] =	sst s0;
	s0 =	simm.s32 @!p2 $0x0  }
0x16: {  	s3 =	sld [smem:$0x3FDB];
	s0 =	simm.s32 @p2 $0x1  }
0x17: {  	s4 =	simm.s32 $0x1BF5;
	[smem:$0x3FB4] =	sst s0  }
0x18: {  	s0 =	sld [smem:$0x3F97];
	_ =	swait.ge [sflag:s4], $0x0  }
0x19: {  	s7 =	sld [smem:$0x3F98]  }
0x1a: {  	s8 =	sadd.s32 $0xFFFFE003, lr  }
0x1b: {  	s9 =	sadd.s32 $0xFFFFFEF7, lr;
	s5 =	simm.s32 $0xFFFFFFFF;
	p2 =	slt.u32 s8, $0xFFFFF086  }
0x1c: {  	p1 =	slt.u32 s9, $0xF7A;
	s5 =	simm.s32 @!p2 $0x0  }
0x1d: {  	s5 =	simm.s32 @p1 $0x1;
	p0 =	seq.s32 s7, s2  }
0x1e: {  	s7 =	smul.u32 @!p0 $0xF7A, s2;
	p2 =	seq.s32 @!p0 s5, $0x0  }
0x1f: {  	s9 =	smul.u32 $0xF7A, s1;
	s8 =	simm.s32 @!p0 $0x1BF5;
	p2 =	por !p2, p0  }
0x20: {  	[sflag:s8] =	ssyncset.s32 @!p0 $0xFFFFF086;
	s6 =	sadd.s32 @!p0 s3, s7;
	s7 =	simm.s32 @!p0 $0x108  }
0x21: {  	s3 =	sadd.s32 s3, s9;
	s6 =	sadd.s32 @!p0 $0x88, s6;
	s7 =	simm.s32 @p2 $0x1082  }
0x22: {  	[simem:s7], [sflag:s8] =	dma.local @!p0 [hbm:s6], $0xF7A  }
0x23: {  	s9 =	sor.u32 $0xD0000000, s2;
	s6 =	simm.s32 $0x108;
	_ =	swait.ge @!p0 [sflag:s8], $0x0  }
0x24: {  	s3 =	sadd.s32 $0x88, s3;
	s6 =	simm.s32 @!p1 $0x1082;
	[sflag:s4] =	ssyncset.s32 $0xFFFFF086  }
0x25: {  	[simem:s6], [sflag:s4] =	dma.local [hbm:s3], $0xF7A  }
0x26: {  	[smem:$0x3F98] =	sst s1;
	(tag) =	ssettag s2;
	_ =	strace s9  }
0x27: {  	s1 =	sld [smem:$0x3FA8]  }
0x28: {  	s2 =	sld [smem:$0x3FA9]  }
0x29: {  	s4 =	sld [smem:$0x3FAB]  }
0x2a: {  	p0 =	seq.s32 s5, $0x0;
	s5 =	sld [smem:$0x3FAC]  }
0x2b: {  	s6 =	sld [smem:$0x3FAD]  }
0x2c: {  	s7 =	sld [smem:$0x3FAE]  }
0x2d: {  	s3 =	simm.s32 $0x108;
	s8 =	sld [smem:$0x3FAF]  }
0x2e: {  	s3 =	simm.s32 @!p0 $0x1082;
	s9 =	sld [smem:$0x3FB0]  }
0x2f: {  	lr =	sadd.s32 s0, s3;
	s0 =	sld [smem:$0x3FA7]  }
0x30: {  	s3 =	sld [smem:$0x3FAA]  }
0x31: {  	[smem:$0x3FB3] =	sst s10  }
0x32: {  	s10 =	sld [smem:$0x3FB1];
	_ =	sdelay $0x3  }
0x33: {  	p0 =	seq.s32 s10, $0x1;
	s10 =	sld [smem:$0x3FB3];
	_ =	sdelay $0x3  }
0x34: {  	[smem:$0x3FB3] =	sst s10  }
0x35: {  	s10 =	sld [smem:$0x3FB2];
	_ =	sdelay $0x3  }
0x36: {  	p1 =	seq.s32 s10, $0x1;
	s10 =	sld [smem:$0x3FB3];
	_ =	sdelay $0x3  }
0x37: {  	[smem:$0x3FB3] =	sst s10  }
0x38: {  	s10 =	sld [smem:$0x3FB4]  }
0x39: {  	_ = 	snop;
	(pc) =	sbr.ind lr, $3  }
0x3a: {  	_ = 	snop  }
0x3b: {  	_ = 	snop  }
0x3c: {  	p2 =	seq.s32 s10, $0x1;
	s10 =	sld [smem:$0x3FB3]  }
0x3d: {  	_ =	shalt  }
0x3e: {  	_ =	shalt  }
0x3f: {  	_ =	shalt  }
0x40: {  	_ =	shalt  }
0x41: {  	_ =	shalt  }
0x42: {  	_ =	shalt  }
0x43: {  	_ =	shalt  }
0x44: {  	_ =	shalt  }
0x45: {  	_ =	shalt  }
0x46: {  	_ =	shalt  }
0x47: {  	_ =	shalt  }
0x48: {  	_ =	shalt  }
0x49: {  	_ =	shalt  }
0x4a: {  	_ =	shalt  }
0x4b: {  	_ =	shalt  }
0x4c: {  	_ =	shalt  }
0x4d: {  	_ =	shalt  }
0x4e: {  	_ =	shalt  }
0x4f: {  	_ =	shalt  }
0x50: {  	_ =	shalt  }
0x51: {  	_ =	shalt  }
0x52: {  	_ =	shalt  }
0x53: {  	_ =	shalt  }
0x54: {  	_ =	shalt  }
0x55: {  	_ =	shalt  }
0x56: {  	_ =	shalt  }
0x57: {  	_ =	shalt  }
0x58: {  	_ =	shalt  }
0x59: {  	_ =	shalt  }
0x5a: {  	_ =	shalt  }
0x5b: {  	_ =	shalt  }
0x5c: {  	_ =	shalt  }
0x5d: {  	_ =	shalt  }
0x5e: {  	_ =	shalt  }
0x5f: {  	_ =	shalt  }
0x60: {  	_ =	shalt  }
0x61: {  	_ =	shalt  }
0x62: {  	_ =	shalt  }
0x63: {  	_ =	shalt  }
0x64: {  	_ =	shalt  }
0x65: {  	_ =	shalt  }
0x66: {  	_ =	shalt  }
0x67: {  	_ =	shalt  }
0x68: {  	_ =	shalt  }
0x69: {  	_ =	shalt  }
0x6a: {  	_ =	shalt  }
0x6b: {  	_ =	shalt  }
0x6c: {  	_ =	shalt  }
0x6d: {  	_ =	shalt  }
0x6e: {  	_ =	shalt  }
0x6f: {  	_ =	shalt  }
0x70: {  	_ =	shalt  }
0x71: {  	_ =	shalt  }
0x72: {  	_ =	shalt  }
0x73: {  	_ =	shalt  }
0x74: {  	_ =	shalt  }
0x75: {  	_ =	shalt  }
0x76: {  	_ =	shalt  }
0x77: {  	_ =	shalt  }
0x78: {  	_ =	shalt  }
0x79: {  	_ =	shalt  }
0x7a: {  	_ =	shalt  }
0x7b: {  	_ =	shalt  }
0x7c: {  	_ =	shalt  }
0x7d: {  	_ =	shalt  }
0x7e: {  	_ =	shalt  }
0x7f: {  	_ =	shalt  }
0x80: {  	_ =	shalt  }
0x81: {  	_ =	shalt  }
0x82: {  	_ =	shalt  }
0x83: {  	_ =	shalt  }
0x84: {  	_ =	shalt  }
0x85: {  	_ =	shalt  }
0x86: {  	_ =	shalt  }
0x87: {  	_ =	shalt  }
.Lfunc_end0:
.L_simem_size_0:
called_computation.3_lowered:
.L_overlay_start_0:
0x88: {  	s2 =	sld [smem:$0x3FD9]  }
0x89: {  	s3 =	sld [smem:$0x3FFE];
	_ =	sdelay $0x1  }
0x8a: {  	s1 =	srdreg.scid  }
0x8b: {  	s0 =	sand.u32 $0x1, s1  }
0x8c: {  	s15 =	sshll.u32 s0, $0xA;
	s2 =	sadd.s32 s3, s2  }
0x8d: {  	s2 =	sadd.s32 s2, s15  }
0x8e: {  	[smem:$0x3FBF] =	sst s2  }
0x8f: {  	_ = 	snop  }
0x90: {  	s2 =	sld [smem:$0x3FD0];
	_ =	sdelay $0x2  }
0x91: {  	s16 =	simm.s32 $0xD;
	s4 =	simm.s32 $0x10  }
0x92: {  	[smem:s4], [sflag:s16] =	dma.local [hbm:s2], $0x1  }
0x93: {  	_ =	swait.eq [sflag:s16], $0x1  }
0x94: {  	[sflag:s16] =	ssyncset.done $0x0  }
0x95: {  	[sflag:s16] =	ssyncadd.s32 $0xFFFFFFFF  }
0x96: {  	s17 =	sld [smem:$0x11];
	(tm) =	ssettm $0x1  }
0x97: {  	s18 =	sld [smem:$0x3FFB];
	_ =	sdelay $0x3  }
0x98: {  	_ =	strace s18  }
0x99: {  	s2 =	sld [smem:$0x3FFC];
	_ =	sdelay $0x3  }
0x9a: {  	_ =	strace s2  }
0x9b: {  	s2 =	sld [smem:$0x3FFD];
	_ =	sdelay $0x3  }
0x9c: {  	_ =	strace s2  }
0x9d: {  	_ =	strace $0x8FFFFFFF  }
0x9e: {  	s19 =	sld [smem:$0x3FDB];
	_ =	sdelay $0x1  }
0x9f: {  	s20 =	simm.s32 $_scs_section_size  }
0xa0: {  	s5 =	simm.s32 $_size__tile_overlayer_lowered;
	s6 =	simm.s32 $_tile_overlayer_lowered  }
0xa1: {  	s7 =	simm.s32 $0x1BFF;
	s21 =	sshll.u32 s6, $0x1;
	s4 =	sadd.s32 s20, s19  }
0xa2: {  	s22 =	simm.s32 $0x0;
	s5 =	sshll.u32 s5, $0x1;
	s6 =	sadd.s32 s21, s4  }
0xa3: {  	[timem:s22], [sflag:s7] =	dma.local [hbm:s6], s5  }
0xa4: {  	_ =	swait.ge [sflag:s7], s5  }
0xa5: {  	s5 =	ssub.s32 $0x0, s5;
	[sflag:s7] =	ssyncset.done $0x0  }
0xa6: {  	[sflag:s7] =	ssyncadd.s32 s5;
	_ =	sdelay $0x1  }
0xa7: {  	s23 =	simm.s32 $0x1B8B  }
0xa8: {  	_ =	swait.ge [sflag:s23], $0x1  }
0xa9: {  	[sflag:s23] =	ssyncset.done $0x0  }
0xaa: {  	[sflag:s23] =	ssyncadd.s32 $0xFFFFFFFF  }
0xab: {  	s5 =	sld [smem:$0x0]  }
0xac: {  	s6 =	sand.u32 $0xFFFFFFFE, s1  }
0xad: {  	p0 =	sne.s32 s1, s6  }
0xae: {  	s6 =	sshll.u32 @p0 s6, $0xE  }
0xaf: {  	s6 =	sadd.s32 @p0 $0x11B8D, s6;
	s7 =	sshll.u32 @p0 s5, $0x11  }
0xb0: {  	s6 =	sor.u32 @p0 s7, s6  }
0xb1: {  	[sflag:s6] =	ssyncadd.remote.s32 @p0 $0x1;
	_ =	sdelay $0x1  }
0xb2: {  	s6 =	simm.s32 @p0 $0x1B8D  }
0xb3: {  	_ =	swait.eq @p0 [sflag:s6], $0x1  }
0xb4: {  	[sflag:s6] =	ssyncadd.s32 @p0 $0xFFFFFFFF  }
0xb5: {  	s7 =	sshll.u32 @!p0 s1, $0xE  }
0xb6: {  	s7 =	sor.u32 @!p0 $0x4000, s7;
	s6 =	simm.s32 @!p0 $0x1B8D  }
0xb7: {  	s5 =	sshll.u32 @!p0 s5, $0x11;
	s7 =	sadd.s32 @!p0 $0x11B8D, s7;
	_ =	swait.eq @!p0 [sflag:s6], $0x1  }
0xb8: {  	s5 =	sor.u32 @!p0 s5, s7;
	[sflag:s6] =	ssyncadd.s32 @!p0 $0xFFFFFFFF  }
0xb9: {  	s25 =	simm.s32 $0x1B8E;
	s24 =	sld [smem:$0x3FFE];
	[sflag:s5] =	ssyncadd.remote.s32 @!p0 $0x1  }
0xba: {  	s26 =	simm.s32 $execute0_lowered;
	[smem:$0x3FD2] =	sst s25  }
0xbb: {  	s6 =	sshll.u32 s26, $0x1;
	_ =	strace $0x8000004F;
	[dreg:$0x1] =	wrdreg $0xFFFFFFFF  }
0xbc: {  	s28 =	simm.s32 $_size_execute0_lowered;
	s4 =	sadd.s32 s4, s6;
	[dreg:$0x0] =	wrdreg $0x0  }
0xbd: {  	s6 =	sshll.u32 s28, $0x1;
	[dreg:$0x2] =	wrdreg s4  }
0xbe: {  	[dreg:$0x3] =	wrdreg s6  }
0xbf: {  	[dreg:$0x4] =	wrdreg $0xC0  }
0xc0: {  	_ =	task [dreg:s22], $0x5FFFF  }
0xc1: {  	[dreg:$0x1] =	wrdreg $0xFFFFFFFF  }
0xc2: {  	[dreg:$0x0] =	wrdreg $0x60  }
0xc3: {  	[dreg:$0x2] =	wrdreg s17  }
0xc4: {  	[dreg:$0x3] =	wrdreg s24  }
0xc5: {  	[dreg:$0x4] =	wrdreg $0x40800  }
0xc6: {  	[dreg:$0x5] =	wrdreg $0xC  }
0xc7: {  	_ =	task.clear_ibuf [dreg:s22], $0x6FFFF;
	_ =	strace $0x9000004F  }
0xc8: {  	s29 =	simm.s32 $0xC;
	_ =	strace $0x80000051  }
0xc9: {  	_ =	swait.ge [sflag:s29], $0x1  }
0xca: {  	[sflag:s29] =	ssyncadd.s32 $0xFFFFFFFF  }
0xcb: {  	_ =	strace $0x90000051  }
0xcc: {  	_ =	sfence  }
0xcd: {  	s30 =	sld [smem:$0x0];
	_ =	sdelay $0x2  }
0xce: {  	s31 =	sshll.u32 s1, $0xD;
	s1 =	sshrl.u32 s1, $0x2  }
0xcf: {  	s4 =	sand.u32 $0x4000, s31;
	s1 =	sadd.s32 s1, s30  }
0xd0: {  	s0 =	sor.u32 s4, s0;
	s1 =	sshll.u32 s1, $0x11  }
0xd1: {  	s0 =	sor.u32 s1, s0  }
0xd2: {  	s0 =	sadd.s32 $0x8F2B, s0  }
0xd3: {  	[sflag:s0] =	ssyncadd.remote.s32 $0x1  }
0xd4: {  	_ =	sfence.sel $0xFFFF  }
0xd5: {  	[dreg:$0x0] =	wrdreg $0xFFFFFFFF;
	(pc) =	sbr.abs _section_cstart, $3  }
0xd6: {  	[dreg:$0x1] =	wrdreg $0xFFFFFFFF  }
0xd7: {  	_ =	task.clear_ibuf [dreg:s22], $0x2FFFF;
	_ =	strace $0x9FFFFFFF  }
0xd8: {  	(tm) =	ssettm $0x7FFFFFFF  }
0xd9: {  	_ =	shalt  }
tec
execute0_lowered:
.L_overlay_start_1:
0x0: {  	(tag) =	ssettag $0x1  }
0x1: {  	s8 =	rddreg [dreg:$0x0]  }
0x2: {  	s11 =	rddreg [dreg:$0x1]  }
0x3: {  	s2 =	rddreg [dreg:$0x2]  }
0x4: {  	s0 =	rddreg [dreg:$0x3];
	s3 =	simm.s32 $0x0;
	s1 =	stileid.u32  }
0x5: {  	s5 =	srdreg.scid;
	[smem:$0x7FF] =	sst s3;
	s4 =	sshll.u32 s1, $0xD  }
0x6: {  	s9 =	sand.u32 $0x1, s5;
	s10 =	sshll.u32 s1, $0x8;
	s29 =	sshll.u32 s1, $0x10  }
0x7: {  	s30 =	sshll.u32 s1, $0x6;
	_ =	strace $0x80000050;
	s4 =	sadd.s32 s4, s11  }
0x8: {  	s12 =	sshll.u32 s9, $0x7;
	s6 =	sadd.s32 s29, s2;
	s5 =	sor.u32 $0x1C02, s30  }
0x9: {  	s4 =	sadd.s32 $0x1C00, s4;
	s7 =	sshrl.u32 s6, $0x3;
	s6 =	simm.s32 $0x2  }
0xa: {  	[spmem:s7], [sflag:s5] =	dma.local [hbm:s4], $0x2000  }
0xb: {  	s12 =	sor.u32 s12, s10;
	_ =	swait.ge [sflag:s6], $0x2000  }
0xc: {  	s10 =	sshrl.u32 s12, $0x3;
	[sflag:s6] =	ssyncset.done $0x0  }
0xd: {  	s8 =	sadd.s32 s8, s10;
	[sflag:s6] =	ssyncadd.s32 $0xFFFFE000  }
0xe: {  	[tilespmem:s3], [sflag:$0x2] =	stream.linear.gather [hbm4b:s8+s3], $0x80, $0x38;
	[tilespmem:$0x14080] =	vst v63  }
0xf: {  	s13 =	ssub.s32 $0x2, s9;
	s9 =	simm.s32 $0x80;
	_ =	swait.ge [sflag:s6], $0x80  }
0x10: {  	s14 =	sshrl.u32 s13, $0x1;
	s12 =	sshll.u32 s12, $0x4;
	[sflag:s6] =	ssyncset.done $0x0  }
0x11: {  	s31 =	ssub.s32 s13, s14;
	s10 =	simm.s32 $0x1;
	[sflag:s6] =	ssyncadd.s32 $0xFFFFFF80  }
0x12: {  	s11 =	sadd.s32 s12, s11;
	s12 =	smax.u32 s31, $0x1;
	[bflag:$0x0] =	sbarrier.arrive $0xFFFF  }
0x13: {  	[tilespmem:s9], [sflag:$0x1] =	stream.indirect.gather [spmem:s2], $0x80, s3, s9, $0xb8;
	[tilespmem:$0x14080] =	vst v63  }
0x14: {  	p0 =	sne.s32 s12, $0x1;
	_ =	swait.ge [sflag:s10], $0x4000  }
.Ltmp0:
0x15: {  	[sflag:s10] =	ssyncset.done $0x0;
	(pc) =	sbr.rel @!p0 .LBB2_2-.Ltmp0, $4  }
0x16: {  	s11 =	sadd.s32 $0x52200, s11;
	[sflag:s10] =	ssyncadd.s32 $0xFFFFC000  }
0x17: {  	[hbm4b:s11+s3] =	stream.linear.scatter [tilespmem:s9], [sflag:$0x2], $0x4000, $0x38;
	[tilespmem:$0x14080] =	vst v63  }
0x18: {  	_ =	swait.ge [sflag:s6], $0x4000  }
0x19: {  	s12 =	sadd.s32 $0xFFFFFFFF, s12;
	[sflag:s6] =	ssyncset.done $0x0  }
.LBB2_1:
0x1a: {  	p0 =	sne.s32 s12, $0x1;
	s12 =	sadd.s32 $0xFFFFFFFF, s12;
	[sflag:s6] =	ssyncadd.s32 $0xFFFFC000  }
0x1b: {  	[spmem:s7], [sflag:s5] =	dma.local [hbm:s4], $0x2000  }
0x1c: {  	_ =	swait.ge [sflag:s6], $0x2000  }
0x1d: {  	[sflag:s6] =	ssyncset.done $0x0  }
0x1e: {  	[sflag:s6] =	ssyncadd.s32 $0xFFFFE000  }
0x1f: {  	[tilespmem:s3], [sflag:$0x2] =	stream.linear.gather [hbm4b:s8+s3], $0x80, $0x38;
	[tilespmem:$0x14080] =	vst v63  }
0x20: {  	_ =	swait.ge [sflag:s6], $0x80  }
0x21: {  	[sflag:s6] =	ssyncset.done $0x0  }
0x22: {  	[sflag:s6] =	ssyncadd.s32 $0xFFFFFF80  }
0x23: {  	[bflag:$0x0] =	sbarrier.arrive $0xFFFF  }
0x24: {  	[tilespmem:s9], [sflag:$0x1] =	stream.indirect.gather [spmem:s2], $0x80, s3, s9, $0xb8;
	[tilespmem:$0x14080] =	vst v63  }
0x25: {  	_ =	swait.ge [sflag:s10], $0x4000  }
.Ltmp1:
0x26: {  	[sflag:s10] =	ssyncset.done $0x0;
	(pc) =	sbr.rel @p0 .LBB2_1-.Ltmp1, $4  }
0x27: {  	[sflag:s10] =	ssyncadd.s32 $0xFFFFC000  }
0x28: {  	[hbm4b:s11+s3] =	stream.linear.scatter [tilespmem:s9], [sflag:$0x2], $0x4000, $0x38;
	[tilespmem:$0x14080] =	vst v63  }
0x29: {  	_ =	swait.ge [sflag:s6], $0x4000  }
0x2a: {  	[sflag:s6] =	ssyncset.done $0x0  }
.LBB2_2:
0x2b: {  	[sflag:s6] =	ssyncadd.s32 $0xFFFFC000  }
0x2c: {  	_ =	sfence.sel $0x180000  }
0x2d: {  	[bflag:$0x0] =	sbarrier.arrive $0xFFFF  }
0x2e: {  	p0 =	sne.s32 s1, $0x0;
	_ =	strace $0x90000050  }
0x2f: {  	s0 =	sadd.s32 @!p0 $0x100000, s0;
	[bflag:$0x2] =	sbarrier.arrive $0xFFFF  }
0x30: {  	[sflag:s0] =	ssyncadd.tile.s32 @!p0 $0x1;
	_ =	shalt  }
.Lfunc_end2:
_tile_overlayer_lowered:
.L_overlay_start_2:
0x31: {  	(tag) =	ssettag $0x2  }
0x32: {  	s0 =	rddreg [dreg:$0x0];
	s2 =	stileid.u32  }
0x33: {  	s1 =	rddreg [dreg:$0x1];
	p0 =	sne.s32 s2, $0x0  }
0x34: {  	s3 =	rddreg [dreg:$0x2];
	[bflag:$0x3] =	sbarrier.arrive $0xFFFF;
	s2 =	simm.s32 @!p0 $0x1C02  }
0x35: {  	[timem:s3], [sflag:s2] =	dma.local @!p0 [hbm:s0], s1  }
0x36: {  	s0 =	simm.s32 @!p0 $0x2  }
0x37: {  	_ =	swait.ge @!p0 [sflag:s0], s1  }
0x38: {  	s1 =	ssub.s32 @!p0 $0x0, s1;
	[sflag:s0] =	ssyncset.done @!p0 $0x0  }
0x39: {  	[sflag:s0] =	ssyncadd.s32 @!p0 s1  }
0x3a: {  	[bflag:$0x3] =	sbarrier.arrive $0xFFFF  }
0x3b: {  	_ =	shalt  }

</sc_bundles>
